<compile_context>
chip_gen: v7x
topology: tpu7x:2x2x1
jax: 0.10.2.dev20260603
libtpu: 0.0.44.dev20260713+nightly
codegen_flags: <defaults>
</compile_context>

<pallas_src>
import functools

import jax
import jax.numpy as jnp
from jax import lax
from jax.experimental import pallas as pl
from jax.experimental.pallas import tpu as pltpu
from jax.experimental.pallas import tpu_sc as plsc

_VOCAB = 100000
_E = 64
_H = 256
_O = 5
_B = 16384
_L = 200
_NC = 2
_NS = 16
_NW = _NC * _NS
_VP = 102400
_HALF = _VP // 2
_COLS = -(-_L // _NW)
_KW = 6400
_KS = _HALF // _KW
_TAIL = _VOCAB - (_HALF + (_KS - 1) * _KW)


def _hist_body(xT, counts, idx_v, cnt_a, cnt_b, sem_a, sem_b):
    wid = lax.axis_index("s") * _NC + lax.axis_index("c")
    issued = [[], []]

    for j in range(_COLS):
        slot = j % 2
        buf, sem = (cnt_a, sem_a) if slot == 0 else (cnt_b, sem_b)
        l = wid + j * _NW
        cond = l < _L

        @pl.when(cond)
        def _(buf=buf, sem=sem, l=l):
            if issued[slot]:
                issued[slot][-1][0].wait()
                issued[slot][-1][2] = cond

            @plsc.parallel_loop(0, _HALF, 16, unroll=8)
            def _zero(i):
                buf[pl.ds(i, 16)] = jnp.zeros((16,), jnp.int32)

            pltpu.sync_copy(xT.at[l], idx_v)

            @plsc.parallel_loop(0, _B, 16, unroll=8)
            def _scat(i):
                v = idx_v[pl.ds(i, 16)]
                hi = (v >= _HALF).astype(jnp.int32)
                a = v - hi * _HALF
                w = jnp.int32(1) << (hi << 4)
                plsc.addupdate_scatter(buf, [a], w)

            issued[slot].append([pltpu.async_copy(buf, counts.at[l], sem),
                                 cond, None])

    for slot in (0, 1):
        for desc, icond, dcond in issued[slot]:
            rem = icond if dcond is None else icond & jnp.logical_not(dcond)

            @pl.when(rem)
            def _(desc=desc):
                desc.wait()


_hist = functools.partial(
    pl.kernel,
    out_type=jax.ShapeDtypeStruct((_L, _HALF), jnp.int32),
    mesh=plsc.VectorSubcoreMesh(core_axis_name="c", subcore_axis_name="s"),
    scratch_types=[
        pltpu.VMEM((_B,), jnp.int32),
        pltpu.VMEM((_HALF,), jnp.int32),
        pltpu.VMEM((_HALF,), jnp.int32),
        pltpu.SemaphoreType.DMA,
        pltpu.SemaphoreType.DMA,
    ],
    compiler_params=pltpu.CompilerParams(needs_layout_passes=False),
)(_hist_body)


def _tail_body(counts_ref, emb_lo_ref, emb_hi_ref, emb_tail_ref,
               w1t_ref, b1_ref, w2t_ref, b2_ref, out_ref, acc_ref):
    k = pl.program_id(0)

    @pl.when(k == 0)
    def _():
        acc_ref[...] = jnp.zeros_like(acc_ref)

    blk = counts_ref[...]
    lo = (blk & 0xFFFF).astype(jnp.float32)
    hi = (blk >> 16).astype(jnp.float32)
    acc_ref[...] += jnp.dot(lo, emb_lo_ref[...],
                            preferred_element_type=jnp.float32)

    @pl.when(k < _KS - 1)
    def _():
        acc_ref[...] += jnp.dot(hi, emb_hi_ref[...],
                                preferred_element_type=jnp.float32)

    @pl.when(k == _KS - 1)
    def _():
        acc_ref[...] += jnp.dot(hi[:, :_TAIL], emb_tail_ref[...],
                                preferred_element_type=jnp.float32)
        s = acc_ref[...] * (1.0 / _B)
        h1 = jnp.tanh(s @ w1t_ref[...] + b1_ref[...])
        h2 = h1 @ w2t_ref[...] + b2_ref[...]
        m = jnp.max(h2, axis=0, keepdims=True)
        lse = jnp.log(jnp.sum(jnp.exp(h2 - m), axis=0, keepdims=True)) + m
        out_ref[...] = h2 - lse


_tail = pl.pallas_call(
    _tail_body,
    grid=(_KS,),
    in_specs=[
        pl.BlockSpec((_L, _KW), lambda k: (0, k)),
        pl.BlockSpec((_KW, _E), lambda k: (k, 0)),
        pl.BlockSpec((_KW, _E), lambda k: (jnp.minimum(k + _KS, 2 * _KS - 2), 0)),
        pl.BlockSpec((_TAIL, _E), lambda k: (_VOCAB // _TAIL - 1, 0)),
        pl.BlockSpec((_E, _H), lambda k: (0, 0)),
        pl.BlockSpec((1, _H), lambda k: (0, 0)),
        pl.BlockSpec((_H, _O), lambda k: (0, 0)),
        pl.BlockSpec((1, _O), lambda k: (0, 0)),
    ],
    out_specs=pl.BlockSpec((_L, _O), lambda k: (0, 0)),
    out_shape=jax.ShapeDtypeStruct((_L, _O), jnp.float32),
    scratch_shapes=[pltpu.VMEM((_L, _E), jnp.float32)],
)


def kernel(x, emb, W1, b1, W2, b2):
    xT = x.T.astype(jnp.int32)
    counts = _hist(xT)
    return _tail(counts, emb, emb, emb, W1.T, b1.reshape(1, _H),
                 W2.T, b2.reshape(1, _O))

# --- scband reference (transcript-rebuilt; emitter-appended) ---
"""Pipeline reference for scband-dan-26087631355926 (READ-ONLY COPY).

The authoritative reference and input builder live on the scoring server;
editing this copy changes nothing except your own understanding.
"""

import jax, jax.numpy as jnp
import numpy as np

VOCAB = 100000
EMBED = 64
HIDDEN = 256
OUT = 5
B = 16384
L = 200

def setup_inputs(seed: int = 0) -> dict:
    key = jax.random.key(seed)
    k1, k2, k3, k4, k5, k6 = jax.random.split(key, 6)
    x = jax.random.randint(k1, (B, L), 0, VOCAB, dtype=jnp.int64) if jax.config.jax_enable_x64 else jax.random.randint(k1, (B, L), 0, VOCAB, dtype=jnp.int32)
    emb = jax.random.normal(k2, (VOCAB, EMBED), dtype=jnp.float32) * 0.1
    # xavier-uniform-ish init for linear layers
    lim1 = float(np.sqrt(6.0 / (EMBED + HIDDEN)))
    W1 = jax.random.uniform(k3, (HIDDEN, EMBED), minval=-lim1, maxval=lim1, dtype=jnp.float32)
    b1 = jnp.zeros((HIDDEN,), dtype=jnp.float32)
    lim2 = float(np.sqrt(6.0 / (HIDDEN + OUT)))
    W2 = jax.random.uniform(k4, (OUT, HIDDEN), minval=-lim2, maxval=lim2, dtype=jnp.float32)
    b2 = jnp.zeros((OUT,), dtype=jnp.float32)
    return {"x": x, "emb": emb, "W1": W1, "b1": b1, "W2": W2, "b2": b2}

def reference(x, emb, W1, b1, W2, b2):
    # embedding lookup (gather)
    h = jnp.take(emb, x, axis=0)          # [B, L, EMBED]
    # torch.mean(input=x, dim=0)
    h = jnp.mean(h, axis=0)               # [L, EMBED]
    # linear_1 + tanh
    h = jnp.tanh(h @ W1.T + b1)           # [L, HIDDEN]
    # linear_2
    h = h @ W2.T + b2                     # [L, OUT]
    # LogSoftmax(dim=0)
    out = jax.nn.log_softmax(h, axis=0)
    return out

if __name__ == "__main__":
    import jax
    _d = setup_inputs()
    print(jax.jit(kernel)(*tuple(_d.values())))

</pallas_src>

<mosaic_0001>
#map = affine_map<(d0, d1) -> (0, 0)>
module attributes {stable_mosaic.version = 14 : i64} {
  func.func @_hist_body(%arg0: i32, %arg1: i32, %arg2: memref<200x16384xi32, #tpu.memory_space<hbm>>, %arg3: memref<200x51200xi32, #tpu.memory_space<hbm>>, %arg4: memref<16384xi32, #tpu.memory_space<vmem>>, %arg5: memref<51200xi32, #tpu.memory_space<vmem>>, %arg6: memref<51200xi32, #tpu.memory_space<vmem>>, %arg7: memref<!tpu.dma_semaphore, #tpu.memory_space<semaphore_mem>>, %arg8: memref<!tpu.dma_semaphore, #tpu.memory_space<semaphore_mem>>) attributes {dimension_semantics = [#tpu.dimension_semantics<core_parallel>, #tpu.dimension_semantics<subcore_parallel>], iteration_bounds = array<i64: 2, 16>, scalar_prefetch = 0 : i64, scratch_operands = 5 : i64, tpu.core_type = #tpu.core_type<sc_vector_subcore>, window_params = [{transform_indices = #map}, {transform_indices = #map}]} {
    %mul3A = arith.constant 2 : i32
    %mul3A_0 = arith.muli %arg1, %mul3A : i32
    %add3A = arith.addi %mul3A_0, %arg0 : i32
    %add3A_1 = arith.constant 0 : i32
    %add3A_2 = arith.addi %add3A, %add3A_1 : i32
    %lt3A = arith.constant 200 : i32
    %lt3A_3 = arith.cmpi slt, %add3A_2, %lt3A : i32
    %convert_element_type3A = arith.extui %lt3A_3 : i1 to i32
    %cond3A = arith.constant 0 : i32
    %cond3A_4 = arith.cmpi ne, %convert_element_type3A, %cond3A : i32
    scf.if %cond3A_4 {
      %parallel_loop3A = arith.constant 0 : i32
      %parallel_loop3A_81 = arith.constant 51200 : i32
      %parallel_loop3A_82 = arith.constant 16 : i32
      scf.for %parallel_loop3A_91 = %parallel_loop3A to %parallel_loop3A_81 step %parallel_loop3A_82  : i32 {
        %parallel_loop3A_92 = arith.constant 0 : i32
        %parallel_loop3A_93 = vector.broadcast %parallel_loop3A_92 : i32 to vector<16xi32>
        %parallel_loop3A_94 = arith.index_cast %parallel_loop3A_91 : i32 to index
        %parallel_loop3A_95 = tpu.vector_load %arg5[%parallel_loop3A_94] {strides = array<i32>} : memref<51200xi32, #tpu.memory_space<vmem>>, vector<16xi32>,
        tpu.vector_store %arg5[%parallel_loop3A_94], %parallel_loop3A_93 {strides = array<i32>} : memref<51200xi32, #tpu.memory_space<vmem>>, vector<16xi32>,
      } {sc.loop_unroll_factor = 8 : i64, sc.parallel_access}
      "tpu.region"() ({
        %run_scoped3A = tpu.sem_alloc : memref<!tpu.dma_semaphore, #tpu.memory_space<semaphore_mem>>
        %dma_start3A_91 = arith.constant 0 : i32
        %dma_start3A_92 = tpu.memref_slice %arg2[%add3A_2, %dma_start3A_91] : memref<200x16384xi32, #tpu.memory_space<hbm>> -> memref<1x16384xi32, #tpu.memory_space<hbm>>
        %dma_start3A_93 = tpu.memref_squeeze %dma_start3A_92 : memref<1x16384xi32, #tpu.memory_space<hbm>> -> memref<16384xi32, #tpu.memory_space<hbm>>
        %dma_start3A_94 = arith.constant 0 : i32
        %dma_start3A_95 = tpu.memref_slice %arg2[%add3A_2, %dma_start3A_94] : memref<200x16384xi32, #tpu.memory_space<hbm>> -> memref<1x16384xi32, #tpu.memory_space<hbm>>
        %dma_start3A_96 = tpu.memref_squeeze %dma_start3A_95 : memref<1x16384xi32, #tpu.memory_space<hbm>> -> memref<16384xi32, #tpu.memory_space<hbm>>
        tpu.enqueue_dma source(%dma_start3A_96 : memref<16384xi32, #tpu.memory_space<hbm>>) target(%arg4 : memref<16384xi32, #tpu.memory_space<vmem>>) target_semaphore(%run_scoped3A : memref<!tpu.dma_semaphore, #tpu.memory_space<semaphore_mem>>)
        %dma_wait3A = arith.constant 0 : i32
        %dma_wait3A_97 = tpu.memref_slice %arg2[%add3A_2, %dma_wait3A] : memref<200x16384xi32, #tpu.memory_space<hbm>> -> memref<1x16384xi32, #tpu.memory_space<hbm>>
        %dma_wait3A_98 = tpu.memref_squeeze %dma_wait3A_97 : memref<1x16384xi32, #tpu.memory_space<hbm>> -> memref<16384xi32, #tpu.memory_space<hbm>>
        %dma_wait3A_99 = arith.constant 0 : i32
        %dma_wait3A_100 = tpu.memref_slice %arg2[%add3A_2, %dma_wait3A_99] : memref<200x16384xi32, #tpu.memory_space<hbm>> -> memref<1x16384xi32, #tpu.memory_space<hbm>>
        %dma_wait3A_101 = tpu.memref_squeeze %dma_wait3A_100 : memref<1x16384xi32, #tpu.memory_space<hbm>> -> memref<16384xi32, #tpu.memory_space<hbm>>
        tpu.wait_dma2 semaphore(%run_scoped3A : memref<!tpu.dma_semaphore, #tpu.memory_space<semaphore_mem>>) src(%dma_wait3A_101 : memref<16384xi32, #tpu.memory_space<hbm>>) dst(%arg4 : memref<16384xi32, #tpu.memory_space<vmem>>)
        tpu.yield
      }) : () -> ()
      %parallel_loop3A_83 = arith.constant 0 : i32
      %parallel_loop3A_84 = arith.constant 16384 : i32
      %parallel_loop3A_85 = arith.constant 16 : i32
      scf.for %parallel_loop3A_91 = %parallel_loop3A_83 to %parallel_loop3A_84 step %parallel_loop3A_85  : i32 {
        %parallel_loop3A_92 = arith.index_cast %parallel_loop3A_91 : i32 to index
        %parallel_loop3A_93 = tpu.vector_load %arg4[%parallel_loop3A_92] {strides = array<i32>} : memref<16384xi32, #tpu.memory_space<vmem>>, vector<16xi32>,
        %parallel_loop3A_94 = arith.constant 51200 : i32
        %parallel_loop3A_95 = vector.broadcast %parallel_loop3A_94 : i32 to vector<16xi32>
        %parallel_loop3A_96 = arith.cmpi sge, %parallel_loop3A_93, %parallel_loop3A_95 : vector<16xi32>
        %parallel_loop3A_97 = arith.extui %parallel_loop3A_96 : vector<16xi1> to vector<16xi32>
        %parallel_loop3A_98 = arith.constant 51200 : i32
        %parallel_loop3A_99 = vector.broadcast %parallel_loop3A_98 : i32 to vector<16xi32>
        %parallel_loop3A_100 = arith.muli %parallel_loop3A_97, %parallel_loop3A_99 : vector<16xi32>
        %parallel_loop3A_101 = arith.subi %parallel_loop3A_93, %parallel_loop3A_100 : vector<16xi32>
        %parallel_loop3A_102 = arith.constant 4 : i32
        %parallel_loop3A_103 = vector.broadcast %parallel_loop3A_102 : i32 to vector<16xi32>
        %parallel_loop3A_104 = arith.shli %parallel_loop3A_97, %parallel_loop3A_103 : vector<16xi32>
        %parallel_loop3A_105 = arith.constant 1 : i32
        %parallel_loop3A_106 = vector.broadcast %parallel_loop3A_105 : i32 to vector<16xi32>
        %parallel_loop3A_107 = arith.shli %parallel_loop3A_106, %parallel_loop3A_104 : vector<16xi32>
        tpu.vector_store_idx %arg5[%parallel_loop3A_101], %parallel_loop3A_107 {add = true} : memref<51200xi32, #tpu.memory_space<vmem>>[vector<16xi32>], vector<16xi32>,
      } {sc.loop_unroll_factor = 8 : i64, sc.parallel_access}
      %dma_start3A = arith.constant 0 : i32
      %dma_start3A_86 = tpu.memref_slice %arg3[%add3A_2, %dma_start3A] : memref<200x51200xi32, #tpu.memory_space<hbm>> -> memref<1x51200xi32, #tpu.memory_space<hbm>>
      %dma_start3A_87 = tpu.memref_squeeze %dma_start3A_86 : memref<1x51200xi32, #tpu.memory_space<hbm>> -> memref<51200xi32, #tpu.memory_space<hbm>>
      %dma_start3A_88 = arith.constant 0 : i32
      %dma_start3A_89 = tpu.memref_slice %arg3[%add3A_2, %dma_start3A_88] : memref<200x51200xi32, #tpu.memory_space<hbm>> -> memref<1x51200xi32, #tpu.memory_space<hbm>>
      %dma_start3A_90 = tpu.memref_squeeze %dma_start3A_89 : memref<1x51200xi32, #tpu.memory_space<hbm>> -> memref<51200xi32, #tpu.memory_space<hbm>>
      tpu.enqueue_dma source(%arg5 : memref<51200xi32, #tpu.memory_space<vmem>>) target(%dma_start3A_90 : memref<51200xi32, #tpu.memory_space<hbm>>) target_semaphore(%arg7 : memref<!tpu.dma_semaphore, #tpu.memory_space<semaphore_mem>>)
    } else {
    }
    %add3A_5 = arith.constant 32 : i32
    %add3A_6 = arith.addi %add3A, %add3A_5 : i32
    %lt3A_7 = arith.constant 200 : i32
    %lt3A_8 = arith.cmpi slt, %add3A_6, %lt3A_7 : i32
    %convert_element_type3A_9 = arith.extui %lt3A_8 : i1 to i32
    %cond3A_10 = arith.constant 0 : i32
    %cond3A_11 = arith.cmpi ne, %convert_element_type3A_9, %cond3A_10 : i32
    scf.if %cond3A_11 {
      %parallel_loop3A = arith.constant 0 : i32
      %parallel_loop3A_81 = arith.constant 51200 : i32
      %parallel_loop3A_82 = arith.constant 16 : i32
      scf.for %parallel_loop3A_91 = %parallel_loop3A to %parallel_loop3A_81 step %parallel_loop3A_82  : i32 {
        %parallel_loop3A_92 = arith.constant 0 : i32
        %parallel_loop3A_93 = vector.broadcast %parallel_loop3A_92 : i32 to vector<16xi32>
        %parallel_loop3A_94 = arith.index_cast %parallel_loop3A_91 : i32 to index
        %parallel_loop3A_95 = tpu.vector_load %arg6[%parallel_loop3A_94] {strides = array<i32>} : memref<51200xi32, #tpu.memory_space<vmem>>, vector<16xi32>,
        tpu.vector_store %arg6[%parallel_loop3A_94], %parallel_loop3A_93 {strides = array<i32>} : memref<51200xi32, #tpu.memory_space<vmem>>, vector<16xi32>,
      } {sc.loop_unroll_factor = 8 : i64, sc.parallel_access}
      "tpu.region"() ({
        %run_scoped3A = tpu.sem_alloc : memref<!tpu.dma_semaphore, #tpu.memory_space<semaphore_mem>>
        %dma_start3A_91 = arith.constant 0 : i32
        %dma_start3A_92 = tpu.memref_slice %arg2[%add3A_6, %dma_start3A_91] : memref<200x16384xi32, #tpu.memory_space<hbm>> -> memref<1x16384xi32, #tpu.memory_space<hbm>>
        %dma_start3A_93 = tpu.memref_squeeze %dma_start3A_92 : memref<1x16384xi32, #tpu.memory_space<hbm>> -> memref<16384xi32, #tpu.memory_space<hbm>>
        %dma_start3A_94 = arith.constant 0 : i32
        %dma_start3A_95 = tpu.memref_slice %arg2[%add3A_6, %dma_start3A_94] : memref<200x16384xi32, #tpu.memory_space<hbm>> -> memref<1x16384xi32, #tpu.memory_space<hbm>>
        %dma_start3A_96 = tpu.memref_squeeze %dma_start3A_95 : memref<1x16384xi32, #tpu.memory_space<hbm>> -> memref<16384xi32, #tpu.memory_space<hbm>>
        tpu.enqueue_dma source(%dma_start3A_96 : memref<16384xi32, #tpu.memory_space<hbm>>) target(%arg4 : memref<16384xi32, #tpu.memory_space<vmem>>) target_semaphore(%run_scoped3A : memref<!tpu.dma_semaphore, #tpu.memory_space<semaphore_mem>>)
        %dma_wait3A = arith.constant 0 : i32
        %dma_wait3A_97 = tpu.memref_slice %arg2[%add3A_6, %dma_wait3A] : memref<200x16384xi32, #tpu.memory_space<hbm>> -> memref<1x16384xi32, #tpu.memory_space<hbm>>
        %dma_wait3A_98 = tpu.memref_squeeze %dma_wait3A_97 : memref<1x16384xi32, #tpu.memory_space<hbm>> -> memref<16384xi32, #tpu.memory_space<hbm>>
        %dma_wait3A_99 = arith.constant 0 : i32
        %dma_wait3A_100 = tpu.memref_slice %arg2[%add3A_6, %dma_wait3A_99] : memref<200x16384xi32, #tpu.memory_space<hbm>> -> memref<1x16384xi32, #tpu.memory_space<hbm>>
        %dma_wait3A_101 = tpu.memref_squeeze %dma_wait3A_100 : memref<1x16384xi32, #tpu.memory_space<hbm>> -> memref<16384xi32, #tpu.memory_space<hbm>>
        tpu.wait_dma2 semaphore(%run_scoped3A : memref<!tpu.dma_semaphore, #tpu.memory_space<semaphore_mem>>) src(%dma_wait3A_101 : memref<16384xi32, #tpu.memory_space<hbm>>) dst(%arg4 : memref<16384xi32, #tpu.memory_space<vmem>>)
        tpu.yield
      }) : () -> ()
      %parallel_loop3A_83 = arith.constant 0 : i32
      %parallel_loop3A_84 = arith.constant 16384 : i32
      %parallel_loop3A_85 = arith.constant 16 : i32
      scf.for %parallel_loop3A_91 = %parallel_loop3A_83 to %parallel_loop3A_84 step %parallel_loop3A_85  : i32 {
        %parallel_loop3A_92 = arith.index_cast %parallel_loop3A_91 : i32 to index
        %parallel_loop3A_93 = tpu.vector_load %arg4[%parallel_loop3A_92] {strides = array<i32>} : memref<16384xi32, #tpu.memory_space<vmem>>, vector<16xi32>,
        %parallel_loop3A_94 = arith.constant 51200 : i32
        %parallel_loop3A_95 = vector.broadcast %parallel_loop3A_94 : i32 to vector<16xi32>
        %parallel_loop3A_96 = arith.cmpi sge, %parallel_loop3A_93, %parallel_loop3A_95 : vector<16xi32>
        %parallel_loop3A_97 = arith.extui %parallel_loop3A_96 : vector<16xi1> to vector<16xi32>
        %parallel_loop3A_98 = arith.constant 51200 : i32
        %parallel_loop3A_99 = vector.broadcast %parallel_loop3A_98 : i32 to vector<16xi32>
        %parallel_loop3A_100 = arith.muli %parallel_loop3A_97, %parallel_loop3A_99 : vector<16xi32>
        %parallel_loop3A_101 = arith.subi %parallel_loop3A_93, %parallel_loop3A_100 : vector<16xi32>
        %parallel_loop3A_102 = arith.constant 4 : i32
        %parallel_loop3A_103 = vector.broadcast %parallel_loop3A_102 : i32 to vector<16xi32>
        %parallel_loop3A_104 = arith.shli %parallel_loop3A_97, %parallel_loop3A_103 : vector<16xi32>
        %parallel_loop3A_105 = arith.constant 1 : i32
        %parallel_loop3A_106 = vector.broadcast %parallel_loop3A_105 : i32 to vector<16xi32>
        %parallel_loop3A_107 = arith.shli %parallel_loop3A_106, %parallel_loop3A_104 : vector<16xi32>
        tpu.vector_store_idx %arg6[%parallel_loop3A_101], %parallel_loop3A_107 {add = true} : memref<51200xi32, #tpu.memory_space<vmem>>[vector<16xi32>], vector<16xi32>,
      } {sc.loop_unroll_factor = 8 : i64, sc.parallel_access}
      %dma_start3A = arith.constant 0 : i32
      %dma_start3A_86 = tpu.memref_slice %arg3[%add3A_6, %dma_start3A] : memref<200x51200xi32, #tpu.memory_space<hbm>> -> memref<1x51200xi32, #tpu.memory_space<hbm>>
      %dma_start3A_87 = tpu.memref_squeeze %dma_start3A_86 : memref<1x51200xi32, #tpu.memory_space<hbm>> -> memref<51200xi32, #tpu.memory_space<hbm>>
      %dma_start3A_88 = arith.constant 0 : i32
      %dma_start3A_89 = tpu.memref_slice %arg3[%add3A_6, %dma_start3A_88] : memref<200x51200xi32, #tpu.memory_space<hbm>> -> memref<1x51200xi32, #tpu.memory_space<hbm>>
      %dma_start3A_90 = tpu.memref_squeeze %dma_start3A_89 : memref<1x51200xi32, #tpu.memory_space<hbm>> -> memref<51200xi32, #tpu.memory_space<hbm>>
      tpu.enqueue_dma source(%arg6 : memref<51200xi32, #tpu.memory_space<vmem>>) target(%dma_start3A_90 : memref<51200xi32, #tpu.memory_space<hbm>>) target_semaphore(%arg8 : memref<!tpu.dma_semaphore, #tpu.memory_space<semaphore_mem>>)
    } else {
    }
    %add3A_12 = arith.constant 64 : i32
    %add3A_13 = arith.addi %add3A, %add3A_12 : i32
    %lt3A_14 = arith.constant 200 : i32
    %lt3A_15 = arith.cmpi slt, %add3A_13, %lt3A_14 : i32
    %convert_element_type3A_16 = arith.extui %lt3A_15 : i1 to i32
    %cond3A_17 = arith.constant 0 : i32
    %cond3A_18 = arith.cmpi ne, %convert_element_type3A_16, %cond3A_17 : i32
    scf.if %cond3A_18 {
      %dma_wait3A = arith.constant 0 : i32
      %dma_wait3A_81 = tpu.memref_slice %arg3[%add3A_2, %dma_wait3A] : memref<200x51200xi32, #tpu.memory_space<hbm>> -> memref<1x51200xi32, #tpu.memory_space<hbm>>
      %dma_wait3A_82 = tpu.memref_squeeze %dma_wait3A_81 : memref<1x51200xi32, #tpu.memory_space<hbm>> -> memref<51200xi32, #tpu.memory_space<hbm>>
      %dma_wait3A_83 = arith.constant 0 : i32
      %dma_wait3A_84 = tpu.memref_slice %arg3[%add3A_2, %dma_wait3A_83] : memref<200x51200xi32, #tpu.memory_space<hbm>> -> memref<1x51200xi32, #tpu.memory_space<hbm>>
      %dma_wait3A_85 = tpu.memref_squeeze %dma_wait3A_84 : memref<1x51200xi32, #tpu.memory_space<hbm>> -> memref<51200xi32, #tpu.memory_space<hbm>>
      tpu.wait_dma2 semaphore(%arg7 : memref<!tpu.dma_semaphore, #tpu.memory_space<semaphore_mem>>) src(%arg5 : memref<51200xi32, #tpu.memory_space<vmem>>) dst(%dma_wait3A_85 : memref<51200xi32, #tpu.memory_space<hbm>>)
      %parallel_loop3A = arith.constant 0 : i32
      %parallel_loop3A_86 = arith.constant 51200 : i32
      %parallel_loop3A_87 = arith.constant 16 : i32
      scf.for %parallel_loop3A_96 = %parallel_loop3A to %parallel_loop3A_86 step %parallel_loop3A_87  : i32 {
        %parallel_loop3A_97 = arith.constant 0 : i32
        %parallel_loop3A_98 = vector.broadcast %parallel_loop3A_97 : i32 to vector<16xi32>
        %parallel_loop3A_99 = arith.index_cast %parallel_loop3A_96 : i32 to index
        %parallel_loop3A_100 = tpu.vector_load %arg5[%parallel_loop3A_99] {strides = array<i32>} : memref<51200xi32, #tpu.memory_space<vmem>>, vector<16xi32>,
        tpu.vector_store %arg5[%parallel_loop3A_99], %parallel_loop3A_98 {strides = array<i32>} : memref<51200xi32, #tpu.memory_space<vmem>>, vector<16xi32>,
      } {sc.loop_unroll_factor = 8 : i64, sc.parallel_access}
      "tpu.region"() ({
        %run_scoped3A = tpu.sem_alloc : memref<!tpu.dma_semaphore, #tpu.memory_space<semaphore_mem>>
        %dma_start3A_96 = arith.constant 0 : i32
        %dma_start3A_97 = tpu.memref_slice %arg2[%add3A_13, %dma_start3A_96] : memref<200x16384xi32, #tpu.memory_space<hbm>> -> memref<1x16384xi32, #tpu.memory_space<hbm>>
        %dma_start3A_98 = tpu.memref_squeeze %dma_start3A_97 : memref<1x16384xi32, #tpu.memory_space<hbm>> -> memref<16384xi32, #tpu.memory_space<hbm>>
        %dma_start3A_99 = arith.constant 0 : i32
        %dma_start3A_100 = tpu.memref_slice %arg2[%add3A_13, %dma_start3A_99] : memref<200x16384xi32, #tpu.memory_space<hbm>> -> memref<1x16384xi32, #tpu.memory_space<hbm>>
        %dma_start3A_101 = tpu.memref_squeeze %dma_start3A_100 : memref<1x16384xi32, #tpu.memory_space<hbm>> -> memref<16384xi32, #tpu.memory_space<hbm>>
        tpu.enqueue_dma source(%dma_start3A_101 : memref<16384xi32, #tpu.memory_space<hbm>>) target(%arg4 : memref<16384xi32, #tpu.memory_space<vmem>>) target_semaphore(%run_scoped3A : memref<!tpu.dma_semaphore, #tpu.memory_space<semaphore_mem>>)
        %dma_wait3A_102 = arith.constant 0 : i32
        %dma_wait3A_103 = tpu.memref_slice %arg2[%add3A_13, %dma_wait3A_102] : memref<200x16384xi32, #tpu.memory_space<hbm>> -> memref<1x16384xi32, #tpu.memory_space<hbm>>
        %dma_wait3A_104 = tpu.memref_squeeze %dma_wait3A_103 : memref<1x16384xi32, #tpu.memory_space<hbm>> -> memref<16384xi32, #tpu.memory_space<hbm>>
        %dma_wait3A_105 = arith.constant 0 : i32
        %dma_wait3A_106 = tpu.memref_slice %arg2[%add3A_13, %dma_wait3A_105] : memref<200x16384xi32, #tpu.memory_space<hbm>> -> memref<1x16384xi32, #tpu.memory_space<hbm>>
        %dma_wait3A_107 = tpu.memref_squeeze %dma_wait3A_106 : memref<1x16384xi32, #tpu.memory_space<hbm>> -> memref<16384xi32, #tpu.memory_space<hbm>>
        tpu.wait_dma2 semaphore(%run_scoped3A : memref<!tpu.dma_semaphore, #tpu.memory_space<semaphore_mem>>) src(%dma_wait3A_107 : memref<16384xi32, #tpu.memory_space<hbm>>) dst(%arg4 : memref<16384xi32, #tpu.memory_space<vmem>>)
        tpu.yield
      }) : () -> ()
      %parallel_loop3A_88 = arith.constant 0 : i32
      %parallel_loop3A_89 = arith.constant 16384 : i32
      %parallel_loop3A_90 = arith.constant 16 : i32
      scf.for %parallel_loop3A_96 = %parallel_loop3A_88 to %parallel_loop3A_89 step %parallel_loop3A_90  : i32 {
        %parallel_loop3A_97 = arith.index_cast %parallel_loop3A_96 : i32 to index
        %parallel_loop3A_98 = tpu.vector_load %arg4[%parallel_loop3A_97] {strides = array<i32>} : memref<16384xi32, #tpu.memory_space<vmem>>, vector<16xi32>,
        %parallel_loop3A_99 = arith.constant 51200 : i32
        %parallel_loop3A_100 = vector.broadcast %parallel_loop3A_99 : i32 to vector<16xi32>
        %parallel_loop3A_101 = arith.cmpi sge, %parallel_loop3A_98, %parallel_loop3A_100 : vector<16xi32>
        %parallel_loop3A_102 = arith.extui %parallel_loop3A_101 : vector<16xi1> to vector<16xi32>
        %parallel_loop3A_103 = arith.constant 51200 : i32
        %parallel_loop3A_104 = vector.broadcast %parallel_loop3A_103 : i32 to vector<16xi32>
        %parallel_loop3A_105 = arith.muli %parallel_loop3A_102, %parallel_loop3A_104 : vector<16xi32>
        %parallel_loop3A_106 = arith.subi %parallel_loop3A_98, %parallel_loop3A_105 : vector<16xi32>
        %parallel_loop3A_107 = arith.constant 4 : i32
        %parallel_loop3A_108 = vector.broadcast %parallel_loop3A_107 : i32 to vector<16xi32>
        %parallel_loop3A_109 = arith.shli %parallel_loop3A_102, %parallel_loop3A_108 : vector<16xi32>
        %parallel_loop3A_110 = arith.constant 1 : i32
        %parallel_loop3A_111 = vector.broadcast %parallel_loop3A_110 : i32 to vector<16xi32>
        %parallel_loop3A_112 = arith.shli %parallel_loop3A_111, %parallel_loop3A_109 : vector<16xi32>
        tpu.vector_store_idx %arg5[%parallel_loop3A_106], %parallel_loop3A_112 {add = true} : memref<51200xi32, #tpu.memory_space<vmem>>[vector<16xi32>], vector<16xi32>,
      } {sc.loop_unroll_factor = 8 : i64, sc.parallel_access}
      %dma_start3A = arith.constant 0 : i32
      %dma_start3A_91 = tpu.memref_slice %arg3[%add3A_13, %dma_start3A] : memref<200x51200xi32, #tpu.memory_space<hbm>> -> memref<1x51200xi32, #tpu.memory_space<hbm>>
      %dma_start3A_92 = tpu.memref_squeeze %dma_start3A_91 : memref<1x51200xi32, #tpu.memory_space<hbm>> -> memref<51200xi32, #tpu.memory_space<hbm>>
      %dma_start3A_93 = arith.constant 0 : i32
      %dma_start3A_94 = tpu.memref_slice %arg3[%add3A_13, %dma_start3A_93] : memref<200x51200xi32, #tpu.memory_space<hbm>> -> memref<1x51200xi32, #tpu.memory_space<hbm>>
      %dma_start3A_95 = tpu.memref_squeeze %dma_start3A_94 : memref<1x51200xi32, #tpu.memory_space<hbm>> -> memref<51200xi32, #tpu.memory_space<hbm>>
      tpu.enqueue_dma source(%arg5 : memref<51200xi32, #tpu.memory_space<vmem>>) target(%dma_start3A_95 : memref<51200xi32, #tpu.memory_space<hbm>>) target_semaphore(%arg7 : memref<!tpu.dma_semaphore, #tpu.memory_space<semaphore_mem>>)
    } else {
    }
    %add3A_19 = arith.constant 96 : i32
    %add3A_20 = arith.addi %add3A, %add3A_19 : i32
    %lt3A_21 = arith.constant 200 : i32
    %lt3A_22 = arith.cmpi slt, %add3A_20, %lt3A_21 : i32
    %convert_element_type3A_23 = arith.extui %lt3A_22 : i1 to i32
    %cond3A_24 = arith.constant 0 : i32
    %cond3A_25 = arith.cmpi ne, %convert_element_type3A_23, %cond3A_24 : i32
    scf.if %cond3A_25 {
      %dma_wait3A = arith.constant 0 : i32
      %dma_wait3A_81 = tpu.memref_slice %arg3[%add3A_6, %dma_wait3A] : memref<200x51200xi32, #tpu.memory_space<hbm>> -> memref<1x51200xi32, #tpu.memory_space<hbm>>
      %dma_wait3A_82 = tpu.memref_squeeze %dma_wait3A_81 : memref<1x51200xi32, #tpu.memory_space<hbm>> -> memref<51200xi32, #tpu.memory_space<hbm>>
      %dma_wait3A_83 = arith.constant 0 : i32
      %dma_wait3A_84 = tpu.memref_slice %arg3[%add3A_6, %dma_wait3A_83] : memref<200x51200xi32, #tpu.memory_space<hbm>> -> memref<1x51200xi32, #tpu.memory_space<hbm>>
      %dma_wait3A_85 = tpu.memref_squeeze %dma_wait3A_84 : memref<1x51200xi32, #tpu.memory_space<hbm>> -> memref<51200xi32, #tpu.memory_space<hbm>>
      tpu.wait_dma2 semaphore(%arg8 : memref<!tpu.dma_semaphore, #tpu.memory_space<semaphore_mem>>) src(%arg6 : memref<51200xi32, #tpu.memory_space<vmem>>) dst(%dma_wait3A_85 : memref<51200xi32, #tpu.memory_space<hbm>>)
      %parallel_loop3A = arith.constant 0 : i32
      %parallel_loop3A_86 = arith.constant 51200 : i32
      %parallel_loop3A_87 = arith.constant 16 : i32
      scf.for %parallel_loop3A_96 = %parallel_loop3A to %parallel_loop3A_86 step %parallel_loop3A_87  : i32 {
        %parallel_loop3A_97 = arith.constant 0 : i32
        %parallel_loop3A_98 = vector.broadcast %parallel_loop3A_97 : i32 to vector<16xi32>
        %parallel_loop3A_99 = arith.index_cast %parallel_loop3A_96 : i32 to index
        %parallel_loop3A_100 = tpu.vector_load %arg6[%parallel_loop3A_99] {strides = array<i32>} : memref<51200xi32, #tpu.memory_space<vmem>>, vector<16xi32>,
        tpu.vector_store %arg6[%parallel_loop3A_99], %parallel_loop3A_98 {strides = array<i32>} : memref<51200xi32, #tpu.memory_space<vmem>>, vector<16xi32>,
      } {sc.loop_unroll_factor = 8 : i64, sc.parallel_access}
      "tpu.region"() ({
        %run_scoped3A = tpu.sem_alloc : memref<!tpu.dma_semaphore, #tpu.memory_space<semaphore_mem>>
        %dma_start3A_96 = arith.constant 0 : i32
        %dma_start3A_97 = tpu.memref_slice %arg2[%add3A_20, %dma_start3A_96] : memref<200x16384xi32, #tpu.memory_space<hbm>> -> memref<1x16384xi32, #tpu.memory_space<hbm>>
        %dma_start3A_98 = tpu.memref_squeeze %dma_start3A_97 : memref<1x16384xi32, #tpu.memory_space<hbm>> -> memref<16384xi32, #tpu.memory_space<hbm>>
        %dma_start3A_99 = arith.constant 0 : i32
        %dma_start3A_100 = tpu.memref_slice %arg2[%add3A_20, %dma_start3A_99] : memref<200x16384xi32, #tpu.memory_space<hbm>> -> memref<1x16384xi32, #tpu.memory_space<hbm>>
        %dma_start3A_101 = tpu.memref_squeeze %dma_start3A_100 : memref<1x16384xi32, #tpu.memory_space<hbm>> -> memref<16384xi32, #tpu.memory_space<hbm>>
        tpu.enqueue_dma source(%dma_start3A_101 : memref<16384xi32, #tpu.memory_space<hbm>>) target(%arg4 : memref<16384xi32, #tpu.memory_space<vmem>>) target_semaphore(%run_scoped3A : memref<!tpu.dma_semaphore, #tpu.memory_space<semaphore_mem>>)
        %dma_wait3A_102 = arith.constant 0 : i32
        %dma_wait3A_103 = tpu.memref_slice %arg2[%add3A_20, %dma_wait3A_102] : memref<200x16384xi32, #tpu.memory_space<hbm>> -> memref<1x16384xi32, #tpu.memory_space<hbm>>
        %dma_wait3A_104 = tpu.memref_squeeze %dma_wait3A_103 : memref<1x16384xi32, #tpu.memory_space<hbm>> -> memref<16384xi32, #tpu.memory_space<hbm>>
        %dma_wait3A_105 = arith.constant 0 : i32
        %dma_wait3A_106 = tpu.memref_slice %arg2[%add3A_20, %dma_wait3A_105] : memref<200x16384xi32, #tpu.memory_space<hbm>> -> memref<1x16384xi32, #tpu.memory_space<hbm>>
        %dma_wait3A_107 = tpu.memref_squeeze %dma_wait3A_106 : memref<1x16384xi32, #tpu.memory_space<hbm>> -> memref<16384xi32, #tpu.memory_space<hbm>>
        tpu.wait_dma2 semaphore(%run_scoped3A : memref<!tpu.dma_semaphore, #tpu.memory_space<semaphore_mem>>) src(%dma_wait3A_107 : memref<16384xi32, #tpu.memory_space<hbm>>) dst(%arg4 : memref<16384xi32, #tpu.memory_space<vmem>>)
        tpu.yield
      }) : () -> ()
      %parallel_loop3A_88 = arith.constant 0 : i32
      %parallel_loop3A_89 = arith.constant 16384 : i32
      %parallel_loop3A_90 = arith.constant 16 : i32
      scf.for %parallel_loop3A_96 = %parallel_loop3A_88 to %parallel_loop3A_89 step %parallel_loop3A_90  : i32 {
        %parallel_loop3A_97 = arith.index_cast %parallel_loop3A_96 : i32 to index
        %parallel_loop3A_98 = tpu.vector_load %arg4[%parallel_loop3A_97] {strides = array<i32>} : memref<16384xi32, #tpu.memory_space<vmem>>, vector<16xi32>,
        %parallel_loop3A_99 = arith.constant 51200 : i32
        %parallel_loop3A_100 = vector.broadcast %parallel_loop3A_99 : i32 to vector<16xi32>
        %parallel_loop3A_101 = arith.cmpi sge, %parallel_loop3A_98, %parallel_loop3A_100 : vector<16xi32>
        %parallel_loop3A_102 = arith.extui %parallel_loop3A_101 : vector<16xi1> to vector<16xi32>
        %parallel_loop3A_103 = arith.constant 51200 : i32
        %parallel_loop3A_104 = vector.broadcast %parallel_loop3A_103 : i32 to vector<16xi32>
        %parallel_loop3A_105 = arith.muli %parallel_loop3A_102, %parallel_loop3A_104 : vector<16xi32>
        %parallel_loop3A_106 = arith.subi %parallel_loop3A_98, %parallel_loop3A_105 : vector<16xi32>
        %parallel_loop3A_107 = arith.constant 4 : i32
        %parallel_loop3A_108 = vector.broadcast %parallel_loop3A_107 : i32 to vector<16xi32>
        %parallel_loop3A_109 = arith.shli %parallel_loop3A_102, %parallel_loop3A_108 : vector<16xi32>
        %parallel_loop3A_110 = arith.constant 1 : i32
        %parallel_loop3A_111 = vector.broadcast %parallel_loop3A_110 : i32 to vector<16xi32>
        %parallel_loop3A_112 = arith.shli %parallel_loop3A_111, %parallel_loop3A_109 : vector<16xi32>
        tpu.vector_store_idx %arg6[%parallel_loop3A_106], %parallel_loop3A_112 {add = true} : memref<51200xi32, #tpu.memory_space<vmem>>[vector<16xi32>], vector<16xi32>,
      } {sc.loop_unroll_factor = 8 : i64, sc.parallel_access}
      %dma_start3A = arith.constant 0 : i32
      %dma_start3A_91 = tpu.memref_slice %arg3[%add3A_20, %dma_start3A] : memref<200x51200xi32, #tpu.memory_space<hbm>> -> memref<1x51200xi32, #tpu.memory_space<hbm>>
      %dma_start3A_92 = tpu.memref_squeeze %dma_start3A_91 : memref<1x51200xi32, #tpu.memory_space<hbm>> -> memref<51200xi32, #tpu.memory_space<hbm>>
      %dma_start3A_93 = arith.constant 0 : i32
      %dma_start3A_94 = tpu.memref_slice %arg3[%add3A_20, %dma_start3A_93] : memref<200x51200xi32, #tpu.memory_space<hbm>> -> memref<1x51200xi32, #tpu.memory_space<hbm>>
      %dma_start3A_95 = tpu.memref_squeeze %dma_start3A_94 : memref<1x51200xi32, #tpu.memory_space<hbm>> -> memref<51200xi32, #tpu.memory_space<hbm>>
      tpu.enqueue_dma source(%arg6 : memref<51200xi32, #tpu.memory_space<vmem>>) target(%dma_start3A_95 : memref<51200xi32, #tpu.memory_space<hbm>>) target_semaphore(%arg8 : memref<!tpu.dma_semaphore, #tpu.memory_space<semaphore_mem>>)
    } else {
    }
    %add3A_26 = arith.constant 128 : i32
    %add3A_27 = arith.addi %add3A, %add3A_26 : i32
    %lt3A_28 = arith.constant 200 : i32
    %lt3A_29 = arith.cmpi slt, %add3A_27, %lt3A_28 : i32
    %convert_element_type3A_30 = arith.extui %lt3A_29 : i1 to i32
    %cond3A_31 = arith.constant 0 : i32
    %cond3A_32 = arith.cmpi ne, %convert_element_type3A_30, %cond3A_31 : i32
    scf.if %cond3A_32 {
      %dma_wait3A = arith.constant 0 : i32
      %dma_wait3A_81 = tpu.memref_slice %arg3[%add3A_13, %dma_wait3A] : memref<200x51200xi32, #tpu.memory_space<hbm>> -> memref<1x51200xi32, #tpu.memory_space<hbm>>
      %dma_wait3A_82 = tpu.memref_squeeze %dma_wait3A_81 : memref<1x51200xi32, #tpu.memory_space<hbm>> -> memref<51200xi32, #tpu.memory_space<hbm>>
      %dma_wait3A_83 = arith.constant 0 : i32
      %dma_wait3A_84 = tpu.memref_slice %arg3[%add3A_13, %dma_wait3A_83] : memref<200x51200xi32, #tpu.memory_space<hbm>> -> memref<1x51200xi32, #tpu.memory_space<hbm>>
      %dma_wait3A_85 = tpu.memref_squeeze %dma_wait3A_84 : memref<1x51200xi32, #tpu.memory_space<hbm>> -> memref<51200xi32, #tpu.memory_space<hbm>>
      tpu.wait_dma2 semaphore(%arg7 : memref<!tpu.dma_semaphore, #tpu.memory_space<semaphore_mem>>) src(%arg5 : memref<51200xi32, #tpu.memory_space<vmem>>) dst(%dma_wait3A_85 : memref<51200xi32, #tpu.memory_space<hbm>>)
      %parallel_loop3A = arith.constant 0 : i32
      %parallel_loop3A_86 = arith.constant 51200 : i32
      %parallel_loop3A_87 = arith.constant 16 : i32
      scf.for %parallel_loop3A_96 = %parallel_loop3A to %parallel_loop3A_86 step %parallel_loop3A_87  : i32 {
        %parallel_loop3A_97 = arith.constant 0 : i32
        %parallel_loop3A_98 = vector.broadcast %parallel_loop3A_97 : i32 to vector<16xi32>
        %parallel_loop3A_99 = arith.index_cast %parallel_loop3A_96 : i32 to index
        %parallel_loop3A_100 = tpu.vector_load %arg5[%parallel_loop3A_99] {strides = array<i32>} : memref<51200xi32, #tpu.memory_space<vmem>>, vector<16xi32>,
        tpu.vector_store %arg5[%parallel_loop3A_99], %parallel_loop3A_98 {strides = array<i32>} : memref<51200xi32, #tpu.memory_space<vmem>>, vector<16xi32>,
      } {sc.loop_unroll_factor = 8 : i64, sc.parallel_access}
      "tpu.region"() ({
        %run_scoped3A = tpu.sem_alloc : memref<!tpu.dma_semaphore, #tpu.memory_space<semaphore_mem>>
        %dma_start3A_96 = arith.constant 0 : i32
        %dma_start3A_97 = tpu.memref_slice %arg2[%add3A_27, %dma_start3A_96] : memref<200x16384xi32, #tpu.memory_space<hbm>> -> memref<1x16384xi32, #tpu.memory_space<hbm>>
        %dma_start3A_98 = tpu.memref_squeeze %dma_start3A_97 : memref<1x16384xi32, #tpu.memory_space<hbm>> -> memref<16384xi32, #tpu.memory_space<hbm>>
        %dma_start3A_99 = arith.constant 0 : i32
        %dma_start3A_100 = tpu.memref_slice %arg2[%add3A_27, %dma_start3A_99] : memref<200x16384xi32, #tpu.memory_space<hbm>> -> memref<1x16384xi32, #tpu.memory_space<hbm>>
        %dma_start3A_101 = tpu.memref_squeeze %dma_start3A_100 : memref<1x16384xi32, #tpu.memory_space<hbm>> -> memref<16384xi32, #tpu.memory_space<hbm>>
        tpu.enqueue_dma source(%dma_start3A_101 : memref<16384xi32, #tpu.memory_space<hbm>>) target(%arg4 : memref<16384xi32, #tpu.memory_space<vmem>>) target_semaphore(%run_scoped3A : memref<!tpu.dma_semaphore, #tpu.memory_space<semaphore_mem>>)
        %dma_wait3A_102 = arith.constant 0 : i32
        %dma_wait3A_103 = tpu.memref_slice %arg2[%add3A_27, %dma_wait3A_102] : memref<200x16384xi32, #tpu.memory_space<hbm>> -> memref<1x16384xi32, #tpu.memory_space<hbm>>
        %dma_wait3A_104 = tpu.memref_squeeze %dma_wait3A_103 : memref<1x16384xi32, #tpu.memory_space<hbm>> -> memref<16384xi32, #tpu.memory_space<hbm>>
        %dma_wait3A_105 = arith.constant 0 : i32
        %dma_wait3A_106 = tpu.memref_slice %arg2[%add3A_27, %dma_wait3A_105] : memref<200x16384xi32, #tpu.memory_space<hbm>> -> memref<1x16384xi32, #tpu.memory_space<hbm>>
        %dma_wait3A_107 = tpu.memref_squeeze %dma_wait3A_106 : memref<1x16384xi32, #tpu.memory_space<hbm>> -> memref<16384xi32, #tpu.memory_space<hbm>>
        tpu.wait_dma2 semaphore(%run_scoped3A : memref<!tpu.dma_semaphore, #tpu.memory_space<semaphore_mem>>) src(%dma_wait3A_107 : memref<16384xi32, #tpu.memory_space<hbm>>) dst(%arg4 : memref<16384xi32, #tpu.memory_space<vmem>>)
        tpu.yield
      }) : () -> ()
      %parallel_loop3A_88 = arith.constant 0 : i32
      %parallel_loop3A_89 = arith.constant 16384 : i32
      %parallel_loop3A_90 = arith.constant 16 : i32
      scf.for %parallel_loop3A_96 = %parallel_loop3A_88 to %parallel_loop3A_89 step %parallel_loop3A_90  : i32 {
        %parallel_loop3A_97 = arith.index_cast %parallel_loop3A_96 : i32 to index
        %parallel_loop3A_98 = tpu.vector_load %arg4[%parallel_loop3A_97] {strides = array<i32>} : memref<16384xi32, #tpu.memory_space<vmem>>, vector<16xi32>,
        %parallel_loop3A_99 = arith.constant 51200 : i32
        %parallel_loop3A_100 = vector.broadcast %parallel_loop3A_99 : i32 to vector<16xi32>
        %parallel_loop3A_101 = arith.cmpi sge, %parallel_loop3A_98, %parallel_loop3A_100 : vector<16xi32>
        %parallel_loop3A_102 = arith.extui %parallel_loop3A_101 : vector<16xi1> to vector<16xi32>
        %parallel_loop3A_103 = arith.constant 51200 : i32
        %parallel_loop3A_104 = vector.broadcast %parallel_loop3A_103 : i32 to vector<16xi32>
        %parallel_loop3A_105 = arith.muli %parallel_loop3A_102, %parallel_loop3A_104 : vector<16xi32>
        %parallel_loop3A_106 = arith.subi %parallel_loop3A_98, %parallel_loop3A_105 : vector<16xi32>
        %parallel_loop3A_107 = arith.constant 4 : i32
        %parallel_loop3A_108 = vector.broadcast %parallel_loop3A_107 : i32 to vector<16xi32>
        %parallel_loop3A_109 = arith.shli %parallel_loop3A_102, %parallel_loop3A_108 : vector<16xi32>
        %parallel_loop3A_110 = arith.constant 1 : i32
        %parallel_loop3A_111 = vector.broadcast %parallel_loop3A_110 : i32 to vector<16xi32>
        %parallel_loop3A_112 = arith.shli %parallel_loop3A_111, %parallel_loop3A_109 : vector<16xi32>
        tpu.vector_store_idx %arg5[%parallel_loop3A_106], %parallel_loop3A_112 {add = true} : memref<51200xi32, #tpu.memory_space<vmem>>[vector<16xi32>], vector<16xi32>,
      } {sc.loop_unroll_factor = 8 : i64, sc.parallel_access}
      %dma_start3A = arith.constant 0 : i32
      %dma_start3A_91 = tpu.memref_slice %arg3[%add3A_27, %dma_start3A] : memref<200x51200xi32, #tpu.memory_space<hbm>> -> memref<1x51200xi32, #tpu.memory_space<hbm>>
      %dma_start3A_92 = tpu.memref_squeeze %dma_start3A_91 : memref<1x51200xi32, #tpu.memory_space<hbm>> -> memref<51200xi32, #tpu.memory_space<hbm>>
      %dma_start3A_93 = arith.constant 0 : i32
      %dma_start3A_94 = tpu.memref_slice %arg3[%add3A_27, %dma_start3A_93] : memref<200x51200xi32, #tpu.memory_space<hbm>> -> memref<1x51200xi32, #tpu.memory_space<hbm>>
      %dma_start3A_95 = tpu.memref_squeeze %dma_start3A_94 : memref<1x51200xi32, #tpu.memory_space<hbm>> -> memref<51200xi32, #tpu.memory_space<hbm>>
      tpu.enqueue_dma source(%arg5 : memref<51200xi32, #tpu.memory_space<vmem>>) target(%dma_start3A_95 : memref<51200xi32, #tpu.memory_space<hbm>>) target_semaphore(%arg7 : memref<!tpu.dma_semaphore, #tpu.memory_space<semaphore_mem>>)
    } else {
    }
    %add3A_33 = arith.constant 160 : i32
    %add3A_34 = arith.addi %add3A, %add3A_33 : i32
    %lt3A_35 = arith.constant 200 : i32
    %lt3A_36 = arith.cmpi slt, %add3A_34, %lt3A_35 : i32
    %convert_element_type3A_37 = arith.extui %lt3A_36 : i1 to i32
    %cond3A_38 = arith.constant 0 : i32
    %cond3A_39 = arith.cmpi ne, %convert_element_type3A_37, %cond3A_38 : i32
    scf.if %cond3A_39 {
      %dma_wait3A = arith.constant 0 : i32
      %dma_wait3A_81 = tpu.memref_slice %arg3[%add3A_20, %dma_wait3A] : memref<200x51200xi32, #tpu.memory_space<hbm>> -> memref<1x51200xi32, #tpu.memory_space<hbm>>
      %dma_wait3A_82 = tpu.memref_squeeze %dma_wait3A_81 : memref<1x51200xi32, #tpu.memory_space<hbm>> -> memref<51200xi32, #tpu.memory_space<hbm>>
      %dma_wait3A_83 = arith.constant 0 : i32
      %dma_wait3A_84 = tpu.memref_slice %arg3[%add3A_20, %dma_wait3A_83] : memref<200x51200xi32, #tpu.memory_space<hbm>> -> memref<1x51200xi32, #tpu.memory_space<hbm>>
      %dma_wait3A_85 = tpu.memref_squeeze %dma_wait3A_84 : memref<1x51200xi32, #tpu.memory_space<hbm>> -> memref<51200xi32, #tpu.memory_space<hbm>>
      tpu.wait_dma2 semaphore(%arg8 : memref<!tpu.dma_semaphore, #tpu.memory_space<semaphore_mem>>) src(%arg6 : memref<51200xi32, #tpu.memory_space<vmem>>) dst(%dma_wait3A_85 : memref<51200xi32, #tpu.memory_space<hbm>>)
      %parallel_loop3A = arith.constant 0 : i32
      %parallel_loop3A_86 = arith.constant 51200 : i32
      %parallel_loop3A_87 = arith.constant 16 : i32
      scf.for %parallel_loop3A_96 = %parallel_loop3A to %parallel_loop3A_86 step %parallel_loop3A_87  : i32 {
        %parallel_loop3A_97 = arith.constant 0 : i32
        %parallel_loop3A_98 = vector.broadcast %parallel_loop3A_97 : i32 to vector<16xi32>
        %parallel_loop3A_99 = arith.index_cast %parallel_loop3A_96 : i32 to index
        %parallel_loop3A_100 = tpu.vector_load %arg6[%parallel_loop3A_99] {strides = array<i32>} : memref<51200xi32, #tpu.memory_space<vmem>>, vector<16xi32>,
        tpu.vector_store %arg6[%parallel_loop3A_99], %parallel_loop3A_98 {strides = array<i32>} : memref<51200xi32, #tpu.memory_space<vmem>>, vector<16xi32>,
      } {sc.loop_unroll_factor = 8 : i64, sc.parallel_access}
      "tpu.region"() ({
        %run_scoped3A = tpu.sem_alloc : memref<!tpu.dma_semaphore, #tpu.memory_space<semaphore_mem>>
        %dma_start3A_96 = arith.constant 0 : i32
        %dma_start3A_97 = tpu.memref_slice %arg2[%add3A_34, %dma_start3A_96] : memref<200x16384xi32, #tpu.memory_space<hbm>> -> memref<1x16384xi32, #tpu.memory_space<hbm>>
        %dma_start3A_98 = tpu.memref_squeeze %dma_start3A_97 : memref<1x16384xi32, #tpu.memory_space<hbm>> -> memref<16384xi32, #tpu.memory_space<hbm>>
        %dma_start3A_99 = arith.constant 0 : i32
        %dma_start3A_100 = tpu.memref_slice %arg2[%add3A_34, %dma_start3A_99] : memref<200x16384xi32, #tpu.memory_space<hbm>> -> memref<1x16384xi32, #tpu.memory_space<hbm>>
        %dma_start3A_101 = tpu.memref_squeeze %dma_start3A_100 : memref<1x16384xi32, #tpu.memory_space<hbm>> -> memref<16384xi32, #tpu.memory_space<hbm>>
        tpu.enqueue_dma source(%dma_start3A_101 : memref<16384xi32, #tpu.memory_space<hbm>>) target(%arg4 : memref<16384xi32, #tpu.memory_space<vmem>>) target_semaphore(%run_scoped3A : memref<!tpu.dma_semaphore, #tpu.memory_space<semaphore_mem>>)
        %dma_wait3A_102 = arith.constant 0 : i32
        %dma_wait3A_103 = tpu.memref_slice %arg2[%add3A_34, %dma_wait3A_102] : memref<200x16384xi32, #tpu.memory_space<hbm>> -> memref<1x16384xi32, #tpu.memory_space<hbm>>
        %dma_wait3A_104 = tpu.memref_squeeze %dma_wait3A_103 : memref<1x16384xi32, #tpu.memory_space<hbm>> -> memref<16384xi32, #tpu.memory_space<hbm>>
        %dma_wait3A_105 = arith.constant 0 : i32
        %dma_wait3A_106 = tpu.memref_slice %arg2[%add3A_34, %dma_wait3A_105] : memref<200x16384xi32, #tpu.memory_space<hbm>> -> memref<1x16384xi32, #tpu.memory_space<hbm>>
        %dma_wait3A_107 = tpu.memref_squeeze %dma_wait3A_106 : memref<1x16384xi32, #tpu.memory_space<hbm>> -> memref<16384xi32, #tpu.memory_space<hbm>>
        tpu.wait_dma2 semaphore(%run_scoped3A : memref<!tpu.dma_semaphore, #tpu.memory_space<semaphore_mem>>) src(%dma_wait3A_107 : memref<16384xi32, #tpu.memory_space<hbm>>) dst(%arg4 : memref<16384xi32, #tpu.memory_space<vmem>>)
        tpu.yield
      }) : () -> ()
      %parallel_loop3A_88 = arith.constant 0 : i32
      %parallel_loop3A_89 = arith.constant 16384 : i32
      %parallel_loop3A_90 = arith.constant 16 : i32
      scf.for %parallel_loop3A_96 = %parallel_loop3A_88 to %parallel_loop3A_89 step %parallel_loop3A_90  : i32 {
        %parallel_loop3A_97 = arith.index_cast %parallel_loop3A_96 : i32 to index
        %parallel_loop3A_98 = tpu.vector_load %arg4[%parallel_loop3A_97] {strides = array<i32>} : memref<16384xi32, #tpu.memory_space<vmem>>, vector<16xi32>,
        %parallel_loop3A_99 = arith.constant 51200 : i32
        %parallel_loop3A_100 = vector.broadcast %parallel_loop3A_99 : i32 to vector<16xi32>
        %parallel_loop3A_101 = arith.cmpi sge, %parallel_loop3A_98, %parallel_loop3A_100 : vector<16xi32>
        %parallel_loop3A_102 = arith.extui %parallel_loop3A_101 : vector<16xi1> to vector<16xi32>
        %parallel_loop3A_103 = arith.constant 51200 : i32
        %parallel_loop3A_104 = vector.broadcast %parallel_loop3A_103 : i32 to vector<16xi32>
        %parallel_loop3A_105 = arith.muli %parallel_loop3A_102, %parallel_loop3A_104 : vector<16xi32>
        %parallel_loop3A_106 = arith.subi %parallel_loop3A_98, %parallel_loop3A_105 : vector<16xi32>
        %parallel_loop3A_107 = arith.constant 4 : i32
        %parallel_loop3A_108 = vector.broadcast %parallel_loop3A_107 : i32 to vector<16xi32>
        %parallel_loop3A_109 = arith.shli %parallel_loop3A_102, %parallel_loop3A_108 : vector<16xi32>
        %parallel_loop3A_110 = arith.constant 1 : i32
        %parallel_loop3A_111 = vector.broadcast %parallel_loop3A_110 : i32 to vector<16xi32>
        %parallel_loop3A_112 = arith.shli %parallel_loop3A_111, %parallel_loop3A_109 : vector<16xi32>
        tpu.vector_store_idx %arg6[%parallel_loop3A_106], %parallel_loop3A_112 {add = true} : memref<51200xi32, #tpu.memory_space<vmem>>[vector<16xi32>], vector<16xi32>,
      } {sc.loop_unroll_factor = 8 : i64, sc.parallel_access}
      %dma_start3A = arith.constant 0 : i32
      %dma_start3A_91 = tpu.memref_slice %arg3[%add3A_34, %dma_start3A] : memref<200x51200xi32, #tpu.memory_space<hbm>> -> memref<1x51200xi32, #tpu.memory_space<hbm>>
      %dma_start3A_92 = tpu.memref_squeeze %dma_start3A_91 : memref<1x51200xi32, #tpu.memory_space<hbm>> -> memref<51200xi32, #tpu.memory_space<hbm>>
      %dma_start3A_93 = arith.constant 0 : i32
      %dma_start3A_94 = tpu.memref_slice %arg3[%add3A_34, %dma_start3A_93] : memref<200x51200xi32, #tpu.memory_space<hbm>> -> memref<1x51200xi32, #tpu.memory_space<hbm>>
      %dma_start3A_95 = tpu.memref_squeeze %dma_start3A_94 : memref<1x51200xi32, #tpu.memory_space<hbm>> -> memref<51200xi32, #tpu.memory_space<hbm>>
      tpu.enqueue_dma source(%arg6 : memref<51200xi32, #tpu.memory_space<vmem>>) target(%dma_start3A_95 : memref<51200xi32, #tpu.memory_space<hbm>>) target_semaphore(%arg8 : memref<!tpu.dma_semaphore, #tpu.memory_space<semaphore_mem>>)
    } else {
    }
    %add3A_40 = arith.constant 192 : i32
    %add3A_41 = arith.addi %add3A, %add3A_40 : i32
    %lt3A_42 = arith.constant 200 : i32
    %lt3A_43 = arith.cmpi slt, %add3A_41, %lt3A_42 : i32
    %convert_element_type3A_44 = arith.extui %lt3A_43 : i1 to i32
    %cond3A_45 = arith.constant 0 : i32
    %cond3A_46 = arith.cmpi ne, %convert_element_type3A_44, %cond3A_45 : i32
    scf.if %cond3A_46 {
      %dma_wait3A = arith.constant 0 : i32
      %dma_wait3A_81 = tpu.memref_slice %arg3[%add3A_27, %dma_wait3A] : memref<200x51200xi32, #tpu.memory_space<hbm>> -> memref<1x51200xi32, #tpu.memory_space<hbm>>
      %dma_wait3A_82 = tpu.memref_squeeze %dma_wait3A_81 : memref<1x51200xi32, #tpu.memory_space<hbm>> -> memref<51200xi32, #tpu.memory_space<hbm>>
      %dma_wait3A_83 = arith.constant 0 : i32
      %dma_wait3A_84 = tpu.memref_slice %arg3[%add3A_27, %dma_wait3A_83] : memref<200x51200xi32, #tpu.memory_space<hbm>> -> memref<1x51200xi32, #tpu.memory_space<hbm>>
      %dma_wait3A_85 = tpu.memref_squeeze %dma_wait3A_84 : memref<1x51200xi32, #tpu.memory_space<hbm>> -> memref<51200xi32, #tpu.memory_space<hbm>>
      tpu.wait_dma2 semaphore(%arg7 : memref<!tpu.dma_semaphore, #tpu.memory_space<semaphore_mem>>) src(%arg5 : memref<51200xi32, #tpu.memory_space<vmem>>) dst(%dma_wait3A_85 : memref<51200xi32, #tpu.memory_space<hbm>>)
      %parallel_loop3A = arith.constant 0 : i32
      %parallel_loop3A_86 = arith.constant 51200 : i32
      %parallel_loop3A_87 = arith.constant 16 : i32
      scf.for %parallel_loop3A_96 = %parallel_loop3A to %parallel_loop3A_86 step %parallel_loop3A_87  : i32 {
        %parallel_loop3A_97 = arith.constant 0 : i32
        %parallel_loop3A_98 = vector.broadcast %parallel_loop3A_97 : i32 to vector<16xi32>
        %parallel_loop3A_99 = arith.index_cast %parallel_loop3A_96 : i32 to index
        %parallel_loop3A_100 = tpu.vector_load %arg5[%parallel_loop3A_99] {strides = array<i32>} : memref<51200xi32, #tpu.memory_space<vmem>>, vector<16xi32>,
        tpu.vector_store %arg5[%parallel_loop3A_99], %parallel_loop3A_98 {strides = array<i32>} : memref<51200xi32, #tpu.memory_space<vmem>>, vector<16xi32>,
      } {sc.loop_unroll_factor = 8 : i64, sc.parallel_access}
      "tpu.region"() ({
        %run_scoped3A = tpu.sem_alloc : memref<!tpu.dma_semaphore, #tpu.memory_space<semaphore_mem>>
        %dma_start3A_96 = arith.constant 0 : i32
        %dma_start3A_97 = tpu.memref_slice %arg2[%add3A_41, %dma_start3A_96] : memref<200x16384xi32, #tpu.memory_space<hbm>> -> memref<1x16384xi32, #tpu.memory_space<hbm>>
        %dma_start3A_98 = tpu.memref_squeeze %dma_start3A_97 : memref<1x16384xi32, #tpu.memory_space<hbm>> -> memref<16384xi32, #tpu.memory_space<hbm>>
        %dma_start3A_99 = arith.constant 0 : i32
        %dma_start3A_100 = tpu.memref_slice %arg2[%add3A_41, %dma_start3A_99] : memref<200x16384xi32, #tpu.memory_space<hbm>> -> memref<1x16384xi32, #tpu.memory_space<hbm>>
        %dma_start3A_101 = tpu.memref_squeeze %dma_start3A_100 : memref<1x16384xi32, #tpu.memory_space<hbm>> -> memref<16384xi32, #tpu.memory_space<hbm>>
        tpu.enqueue_dma source(%dma_start3A_101 : memref<16384xi32, #tpu.memory_space<hbm>>) target(%arg4 : memref<16384xi32, #tpu.memory_space<vmem>>) target_semaphore(%run_scoped3A : memref<!tpu.dma_semaphore, #tpu.memory_space<semaphore_mem>>)
        %dma_wait3A_102 = arith.constant 0 : i32
        %dma_wait3A_103 = tpu.memref_slice %arg2[%add3A_41, %dma_wait3A_102] : memref<200x16384xi32, #tpu.memory_space<hbm>> -> memref<1x16384xi32, #tpu.memory_space<hbm>>
        %dma_wait3A_104 = tpu.memref_squeeze %dma_wait3A_103 : memref<1x16384xi32, #tpu.memory_space<hbm>> -> memref<16384xi32, #tpu.memory_space<hbm>>
        %dma_wait3A_105 = arith.constant 0 : i32
        %dma_wait3A_106 = tpu.memref_slice %arg2[%add3A_41, %dma_wait3A_105] : memref<200x16384xi32, #tpu.memory_space<hbm>> -> memref<1x16384xi32, #tpu.memory_space<hbm>>
        %dma_wait3A_107 = tpu.memref_squeeze %dma_wait3A_106 : memref<1x16384xi32, #tpu.memory_space<hbm>> -> memref<16384xi32, #tpu.memory_space<hbm>>
        tpu.wait_dma2 semaphore(%run_scoped3A : memref<!tpu.dma_semaphore, #tpu.memory_space<semaphore_mem>>) src(%dma_wait3A_107 : memref<16384xi32, #tpu.memory_space<hbm>>) dst(%arg4 : memref<16384xi32, #tpu.memory_space<vmem>>)
        tpu.yield
      }) : () -> ()
      %parallel_loop3A_88 = arith.constant 0 : i32
      %parallel_loop3A_89 = arith.constant 16384 : i32
      %parallel_loop3A_90 = arith.constant 16 : i32
      scf.for %parallel_loop3A_96 = %parallel_loop3A_88 to %parallel_loop3A_89 step %parallel_loop3A_90  : i32 {
        %parallel_loop3A_97 = arith.index_cast %parallel_loop3A_96 : i32 to index
        %parallel_loop3A_98 = tpu.vector_load %arg4[%parallel_loop3A_97] {strides = array<i32>} : memref<16384xi32, #tpu.memory_space<vmem>>, vector<16xi32>,
        %parallel_loop3A_99 = arith.constant 51200 : i32
        %parallel_loop3A_100 = vector.broadcast %parallel_loop3A_99 : i32 to vector<16xi32>
        %parallel_loop3A_101 = arith.cmpi sge, %parallel_loop3A_98, %parallel_loop3A_100 : vector<16xi32>
        %parallel_loop3A_102 = arith.extui %parallel_loop3A_101 : vector<16xi1> to vector<16xi32>
        %parallel_loop3A_103 = arith.constant 51200 : i32
        %parallel_loop3A_104 = vector.broadcast %parallel_loop3A_103 : i32 to vector<16xi32>
        %parallel_loop3A_105 = arith.muli %parallel_loop3A_102, %parallel_loop3A_104 : vector<16xi32>
        %parallel_loop3A_106 = arith.subi %parallel_loop3A_98, %parallel_loop3A_105 : vector<16xi32>
        %parallel_loop3A_107 = arith.constant 4 : i32
        %parallel_loop3A_108 = vector.broadcast %parallel_loop3A_107 : i32 to vector<16xi32>
        %parallel_loop3A_109 = arith.shli %parallel_loop3A_102, %parallel_loop3A_108 : vector<16xi32>
        %parallel_loop3A_110 = arith.constant 1 : i32
        %parallel_loop3A_111 = vector.broadcast %parallel_loop3A_110 : i32 to vector<16xi32>
        %parallel_loop3A_112 = arith.shli %parallel_loop3A_111, %parallel_loop3A_109 : vector<16xi32>
        tpu.vector_store_idx %arg5[%parallel_loop3A_106], %parallel_loop3A_112 {add = true} : memref<51200xi32, #tpu.memory_space<vmem>>[vector<16xi32>], vector<16xi32>,
      } {sc.loop_unroll_factor = 8 : i64, sc.parallel_access}
      %dma_start3A = arith.constant 0 : i32
      %dma_start3A_91 = tpu.memref_slice %arg3[%add3A_41, %dma_start3A] : memref<200x51200xi32, #tpu.memory_space<hbm>> -> memref<1x51200xi32, #tpu.memory_space<hbm>>
      %dma_start3A_92 = tpu.memref_squeeze %dma_start3A_91 : memref<1x51200xi32, #tpu.memory_space<hbm>> -> memref<51200xi32, #tpu.memory_space<hbm>>
      %dma_start3A_93 = arith.constant 0 : i32
      %dma_start3A_94 = tpu.memref_slice %arg3[%add3A_41, %dma_start3A_93] : memref<200x51200xi32, #tpu.memory_space<hbm>> -> memref<1x51200xi32, #tpu.memory_space<hbm>>
      %dma_start3A_95 = tpu.memref_squeeze %dma_start3A_94 : memref<1x51200xi32, #tpu.memory_space<hbm>> -> memref<51200xi32, #tpu.memory_space<hbm>>
      tpu.enqueue_dma source(%arg5 : memref<51200xi32, #tpu.memory_space<vmem>>) target(%dma_start3A_95 : memref<51200xi32, #tpu.memory_space<hbm>>) target_semaphore(%arg7 : memref<!tpu.dma_semaphore, #tpu.memory_space<semaphore_mem>>)
    } else {
    }
    %not3A = arith.constant true
    %not3A_47 = arith.xori %lt3A_15, %not3A : i1
    %and3A = arith.andi %lt3A_3, %not3A_47 : i1
    %convert_element_type3A_48 = arith.extui %and3A : i1 to i32
    %cond3A_49 = arith.constant 0 : i32
    %cond3A_50 = arith.cmpi ne, %convert_element_type3A_48, %cond3A_49 : i32
    scf.if %cond3A_50 {
      %dma_wait3A = arith.constant 0 : i32
      %dma_wait3A_81 = tpu.memref_slice %arg3[%add3A_2, %dma_wait3A] : memref<200x51200xi32, #tpu.memory_space<hbm>> -> memref<1x51200xi32, #tpu.memory_space<hbm>>
      %dma_wait3A_82 = tpu.memref_squeeze %dma_wait3A_81 : memref<1x51200xi32, #tpu.memory_space<hbm>> -> memref<51200xi32, #tpu.memory_space<hbm>>
      %dma_wait3A_83 = arith.constant 0 : i32
      %dma_wait3A_84 = tpu.memref_slice %arg3[%add3A_2, %dma_wait3A_83] : memref<200x51200xi32, #tpu.memory_space<hbm>> -> memref<1x51200xi32, #tpu.memory_space<hbm>>
      %dma_wait3A_85 = tpu.memref_squeeze %dma_wait3A_84 : memref<1x51200xi32, #tpu.memory_space<hbm>> -> memref<51200xi32, #tpu.memory_space<hbm>>
      tpu.wait_dma2 semaphore(%arg7 : memref<!tpu.dma_semaphore, #tpu.memory_space<semaphore_mem>>) src(%arg5 : memref<51200xi32, #tpu.memory_space<vmem>>) dst(%dma_wait3A_85 : memref<51200xi32, #tpu.memory_space<hbm>>)
    } else {
    }
    %not3A_51 = arith.constant true
    %not3A_52 = arith.xori %lt3A_29, %not3A_51 : i1
    %and3A_53 = arith.andi %lt3A_15, %not3A_52 : i1
    %convert_element_type3A_54 = arith.extui %and3A_53 : i1 to i32
    %cond3A_55 = arith.constant 0 : i32
    %cond3A_56 = arith.cmpi ne, %convert_element_type3A_54, %cond3A_55 : i32
    scf.if %cond3A_56 {
      %dma_wait3A = arith.constant 0 : i32
      %dma_wait3A_81 = tpu.memref_slice %arg3[%add3A_13, %dma_wait3A] : memref<200x51200xi32, #tpu.memory_space<hbm>> -> memref<1x51200xi32, #tpu.memory_space<hbm>>
      %dma_wait3A_82 = tpu.memref_squeeze %dma_wait3A_81 : memref<1x51200xi32, #tpu.memory_space<hbm>> -> memref<51200xi32, #tpu.memory_space<hbm>>
      %dma_wait3A_83 = arith.constant 0 : i32
      %dma_wait3A_84 = tpu.memref_slice %arg3[%add3A_13, %dma_wait3A_83] : memref<200x51200xi32, #tpu.memory_space<hbm>> -> memref<1x51200xi32, #tpu.memory_space<hbm>>
      %dma_wait3A_85 = tpu.memref_squeeze %dma_wait3A_84 : memref<1x51200xi32, #tpu.memory_space<hbm>> -> memref<51200xi32, #tpu.memory_space<hbm>>
      tpu.wait_dma2 semaphore(%arg7 : memref<!tpu.dma_semaphore, #tpu.memory_space<semaphore_mem>>) src(%arg5 : memref<51200xi32, #tpu.memory_space<vmem>>) dst(%dma_wait3A_85 : memref<51200xi32, #tpu.memory_space<hbm>>)
    } else {
    }
    %not3A_57 = arith.constant true
    %not3A_58 = arith.xori %lt3A_43, %not3A_57 : i1
    %and3A_59 = arith.andi %lt3A_29, %not3A_58 : i1
    %convert_element_type3A_60 = arith.extui %and3A_59 : i1 to i32
    %cond3A_61 = arith.constant 0 : i32
    %cond3A_62 = arith.cmpi ne, %convert_element_type3A_60, %cond3A_61 : i32
    scf.if %cond3A_62 {
      %dma_wait3A = arith.constant 0 : i32
      %dma_wait3A_81 = tpu.memref_slice %arg3[%add3A_27, %dma_wait3A] : memref<200x51200xi32, #tpu.memory_space<hbm>> -> memref<1x51200xi32, #tpu.memory_space<hbm>>
      %dma_wait3A_82 = tpu.memref_squeeze %dma_wait3A_81 : memref<1x51200xi32, #tpu.memory_space<hbm>> -> memref<51200xi32, #tpu.memory_space<hbm>>
      %dma_wait3A_83 = arith.constant 0 : i32
      %dma_wait3A_84 = tpu.memref_slice %arg3[%add3A_27, %dma_wait3A_83] : memref<200x51200xi32, #tpu.memory_space<hbm>> -> memref<1x51200xi32, #tpu.memory_space<hbm>>
      %dma_wait3A_85 = tpu.memref_squeeze %dma_wait3A_84 : memref<1x51200xi32, #tpu.memory_space<hbm>> -> memref<51200xi32, #tpu.memory_space<hbm>>
      tpu.wait_dma2 semaphore(%arg7 : memref<!tpu.dma_semaphore, #tpu.memory_space<semaphore_mem>>) src(%arg5 : memref<51200xi32, #tpu.memory_space<vmem>>) dst(%dma_wait3A_85 : memref<51200xi32, #tpu.memory_space<hbm>>)
    } else {
    }
    %convert_element_type3A_63 = arith.extui %lt3A_43 : i1 to i32
    %cond3A_64 = arith.constant 0 : i32
    %cond3A_65 = arith.cmpi ne, %convert_element_type3A_63, %cond3A_64 : i32
    scf.if %cond3A_65 {
      %dma_wait3A = arith.constant 0 : i32
      %dma_wait3A_81 = tpu.memref_slice %arg3[%add3A_41, %dma_wait3A] : memref<200x51200xi32, #tpu.memory_space<hbm>> -> memref<1x51200xi32, #tpu.memory_space<hbm>>
      %dma_wait3A_82 = tpu.memref_squeeze %dma_wait3A_81 : memref<1x51200xi32, #tpu.memory_space<hbm>> -> memref<51200xi32, #tpu.memory_space<hbm>>
      %dma_wait3A_83 = arith.constant 0 : i32
      %dma_wait3A_84 = tpu.memref_slice %arg3[%add3A_41, %dma_wait3A_83] : memref<200x51200xi32, #tpu.memory_space<hbm>> -> memref<1x51200xi32, #tpu.memory_space<hbm>>
      %dma_wait3A_85 = tpu.memref_squeeze %dma_wait3A_84 : memref<1x51200xi32, #tpu.memory_space<hbm>> -> memref<51200xi32, #tpu.memory_space<hbm>>
      tpu.wait_dma2 semaphore(%arg7 : memref<!tpu.dma_semaphore, #tpu.memory_space<semaphore_mem>>) src(%arg5 : memref<51200xi32, #tpu.memory_space<vmem>>) dst(%dma_wait3A_85 : memref<51200xi32, #tpu.memory_space<hbm>>)
    } else {
    }
    %not3A_66 = arith.constant true
    %not3A_67 = arith.xori %lt3A_22, %not3A_66 : i1
    %and3A_68 = arith.andi %lt3A_8, %not3A_67 : i1
    %convert_element_type3A_69 = arith.extui %and3A_68 : i1 to i32
    %cond3A_70 = arith.constant 0 : i32
    %cond3A_71 = arith.cmpi ne, %convert_element_type3A_69, %cond3A_70 : i32
    scf.if %cond3A_71 {
      %dma_wait3A = arith.constant 0 : i32
      %dma_wait3A_81 = tpu.memref_slice %arg3[%add3A_6, %dma_wait3A] : memref<200x51200xi32, #tpu.memory_space<hbm>> -> memref<1x51200xi32, #tpu.memory_space<hbm>>
      %dma_wait3A_82 = tpu.memref_squeeze %dma_wait3A_81 : memref<1x51200xi32, #tpu.memory_space<hbm>> -> memref<51200xi32, #tpu.memory_space<hbm>>
      %dma_wait3A_83 = arith.constant 0 : i32
      %dma_wait3A_84 = tpu.memref_slice %arg3[%add3A_6, %dma_wait3A_83] : memref<200x51200xi32, #tpu.memory_space<hbm>> -> memref<1x51200xi32, #tpu.memory_space<hbm>>
      %dma_wait3A_85 = tpu.memref_squeeze %dma_wait3A_84 : memref<1x51200xi32, #tpu.memory_space<hbm>> -> memref<51200xi32, #tpu.memory_space<hbm>>
      tpu.wait_dma2 semaphore(%arg8 : memref<!tpu.dma_semaphore, #tpu.memory_space<semaphore_mem>>) src(%arg6 : memref<51200xi32, #tpu.memory_space<vmem>>) dst(%dma_wait3A_85 : memref<51200xi32, #tpu.memory_space<hbm>>)
    } else {
    }
    %not3A_72 = arith.constant true
    %not3A_73 = arith.xori %lt3A_36, %not3A_72 : i1
    %and3A_74 = arith.andi %lt3A_22, %not3A_73 : i1
    %convert_element_type3A_75 = arith.extui %and3A_74 : i1 to i32
    %cond3A_76 = arith.constant 0 : i32
    %cond3A_77 = arith.cmpi ne, %convert_element_type3A_75, %cond3A_76 : i32
    scf.if %cond3A_77 {
      %dma_wait3A = arith.constant 0 : i32
      %dma_wait3A_81 = tpu.memref_slice %arg3[%add3A_20, %dma_wait3A] : memref<200x51200xi32, #tpu.memory_space<hbm>> -> memref<1x51200xi32, #tpu.memory_space<hbm>>
      %dma_wait3A_82 = tpu.memref_squeeze %dma_wait3A_81 : memref<1x51200xi32, #tpu.memory_space<hbm>> -> memref<51200xi32, #tpu.memory_space<hbm>>
      %dma_wait3A_83 = arith.constant 0 : i32
      %dma_wait3A_84 = tpu.memref_slice %arg3[%add3A_20, %dma_wait3A_83] : memref<200x51200xi32, #tpu.memory_space<hbm>> -> memref<1x51200xi32, #tpu.memory_space<hbm>>
      %dma_wait3A_85 = tpu.memref_squeeze %dma_wait3A_84 : memref<1x51200xi32, #tpu.memory_space<hbm>> -> memref<51200xi32, #tpu.memory_space<hbm>>
      tpu.wait_dma2 semaphore(%arg8 : memref<!tpu.dma_semaphore, #tpu.memory_space<semaphore_mem>>) src(%arg6 : memref<51200xi32, #tpu.memory_space<vmem>>) dst(%dma_wait3A_85 : memref<51200xi32, #tpu.memory_space<hbm>>)
    } else {
    }
    %convert_element_type3A_78 = arith.extui %lt3A_36 : i1 to i32
    %cond3A_79 = arith.constant 0 : i32
    %cond3A_80 = arith.cmpi ne, %convert_element_type3A_78, %cond3A_79 : i32
    scf.if %cond3A_80 {
      %dma_wait3A = arith.constant 0 : i32
      %dma_wait3A_81 = tpu.memref_slice %arg3[%add3A_34, %dma_wait3A] : memref<200x51200xi32, #tpu.memory_space<hbm>> -> memref<1x51200xi32, #tpu.memory_space<hbm>>
      %dma_wait3A_82 = tpu.memref_squeeze %dma_wait3A_81 : memref<1x51200xi32, #tpu.memory_space<hbm>> -> memref<51200xi32, #tpu.memory_space<hbm>>
      %dma_wait3A_83 = arith.constant 0 : i32
      %dma_wait3A_84 = tpu.memref_slice %arg3[%add3A_34, %dma_wait3A_83] : memref<200x51200xi32, #tpu.memory_space<hbm>> -> memref<1x51200xi32, #tpu.memory_space<hbm>>
      %dma_wait3A_85 = tpu.memref_squeeze %dma_wait3A_84 : memref<1x51200xi32, #tpu.memory_space<hbm>> -> memref<51200xi32, #tpu.memory_space<hbm>>
      tpu.wait_dma2 semaphore(%arg8 : memref<!tpu.dma_semaphore, #tpu.memory_space<semaphore_mem>>) src(%arg6 : memref<51200xi32, #tpu.memory_space<vmem>>) dst(%dma_wait3A_85 : memref<51200xi32, #tpu.memory_space<hbm>>)
    } else {
    }
    return
  }
}

module attributes {stable_mosaic.version = 14 : i64} {
  func.func @_tail_body(%arg0: i32, %arg1: memref<200x6400xi32, #tpu.memory_space<vmem>>, %arg2: memref<6400x64xf32, #tpu.memory_space<vmem>>, %arg3: memref<6400x64xf32, #tpu.memory_space<vmem>>, %arg4: memref<4000x64xf32, #tpu.memory_space<vmem>>, %arg5: memref<64x256xf32, #tpu.memory_space<vmem>>, %arg6: memref<1x256xf32, #tpu.memory_space<vmem>>, %arg7: memref<256x5xf32, #tpu.memory_space<vmem>>, %arg8: memref<1x5xf32, #tpu.memory_space<vmem>>, %arg9: memref<200x5xf32, #tpu.memory_space<vmem>>, %arg10: memref<200x64xf32, #tpu.memory_space<vmem>>) attributes {dimension_semantics = [#tpu.dimension_semantics<arbitrary>], iteration_bounds = array<i64: 8>, scalar_prefetch = 0 : i64, scratch_operands = 1 : i64, tpu.core_type = #tpu.core_type<tc>, window_params = [{transform_indices = @transform_0, window_bounds = array<i64: 200, 6400>}, {transform_indices = @transform_1, window_bounds = array<i64: 6400, 64>}, {transform_indices = @transform_2, window_bounds = array<i64: 6400, 64>}, {transform_indices = @transform_3, window_bounds = array<i64: 4000, 64>}, {pipeline_mode = #tpu.pipeline_mode<synchronous>, transform_indices = @transform_4, window_bounds = array<i64: 64, 256>}, {pipeline_mode = #tpu.pipeline_mode<synchronous>, transform_indices = @transform_5, window_bounds = array<i64: 1, 256>}, {pipeline_mode = #tpu.pipeline_mode<synchronous>, transform_indices = @transform_6, window_bounds = array<i64: 256, 5>}, {pipeline_mode = #tpu.pipeline_mode<synchronous>, transform_indices = @transform_7, window_bounds = array<i64: 1, 5>}, {pipeline_mode = #tpu.pipeline_mode<synchronous>, transform_indices = @transform_8, window_bounds = array<i64: 200, 5>}]} {
    %eq3A = arith.constant 0 : i32
    %eq3A_0 = arith.cmpi eq, %arg0, %eq3A : i32
    %convert_element_type3A = arith.extui %eq3A_0 : i1 to i32
    %cond3A = arith.constant 0 : i32
    %cond3A_1 = arith.cmpi ne, %convert_element_type3A, %cond3A : i32
    scf.if %cond3A_1 {
      %broadcast_in_dim3A = arith.constant 0.000000e+00 : f32
      %broadcast_in_dim3A_28 = vector.broadcast %broadcast_in_dim3A : f32 to vector<200x64xf32>
      %swap3A_29 = arith.constant 0 : index
      %swap3A_30 = arith.constant 0 : index
      %swap3A_31 = vector.load %arg10[%swap3A_29, %swap3A_30] : memref<200x64xf32, #tpu.memory_space<vmem>>, vector<200x64xf32>
      tpu.vector_store %arg10[%swap3A_29, %swap3A_30], %broadcast_in_dim3A_28 {strides = array<i32>} : memref<200x64xf32, #tpu.memory_space<vmem>>, vector<200x64xf32>,
    } else {
    }
    %get3A = arith.constant 0 : index
    %get3A_2 = arith.constant 0 : index
    %get3A_3 = vector.load %arg1[%get3A, %get3A_2] : memref<200x6400xi32, #tpu.memory_space<vmem>>, vector<200x6400xi32>
    %and3A = arith.constant 65535 : i32
    %and3A_4 = vector.broadcast %and3A : i32 to vector<200x6400xi32>
    %and3A_5 = arith.andi %get3A_3, %and3A_4 : vector<200x6400xi32>
    %convert_element_type3A_6 = arith.sitofp %and3A_5 : vector<200x6400xi32> to vector<200x6400xf32>
    %shift_right_arithmetic3A = arith.constant 16 : i32
    %shift_right_arithmetic3A_7 = vector.broadcast %shift_right_arithmetic3A : i32 to vector<200x6400xi32>
    %shift_right_arithmetic3A_8 = arith.shrsi %get3A_3, %shift_right_arithmetic3A_7 : vector<200x6400xi32>
    %convert_element_type3A_9 = arith.sitofp %shift_right_arithmetic3A_8 : vector<200x6400xi32> to vector<200x6400xf32>
    %get3A_10 = arith.constant 0 : index
    %get3A_11 = arith.constant 0 : index
    %get3A_12 = vector.load %arg10[%get3A_10, %get3A_11] : memref<200x64xf32, #tpu.memory_space<vmem>>, vector<200x64xf32>
    %get3A_13 = arith.constant 0 : index
    %get3A_14 = arith.constant 0 : index
    %get3A_15 = vector.load %arg2[%get3A_13, %get3A_14] : memref<6400x64xf32, #tpu.memory_space<vmem>>, vector<6400x64xf32>
    %dot_general3A = arith.constant dense<0.000000e+00> : vector<200x64xf32>
    %dot_general3A_16 = tpu.matmul %convert_element_type3A_6, %get3A_15, %dot_general3A {dimension_numbers = #tpu.dot_dimension_numbers<[1], [0], [0], [1], [0, 0, 1, 1], [], []>, transpose_lhs_hint = false} : vector<200x6400xf32>, vector<6400x64xf32>, vector<200x64xf32> -> vector<200x64xf32>
    %add3A = arith.addf %get3A_12, %dot_general3A_16 : vector<200x64xf32>
    %swap3A = arith.constant 0 : index
    %swap3A_17 = arith.constant 0 : index
    %swap3A_18 = vector.load %arg10[%swap3A, %swap3A_17] : memref<200x64xf32, #tpu.memory_space<vmem>>, vector<200x64xf32>
    tpu.vector_store %arg10[%swap3A, %swap3A_17], %add3A {strides = array<i32>} : memref<200x64xf32, #tpu.memory_space<vmem>>, vector<200x64xf32>,
    %lt3A = arith.constant 7 : i32
    %lt3A_19 = arith.cmpi slt, %arg0, %lt3A : i32
    %convert_element_type3A_20 = arith.extui %lt3A_19 : i1 to i32
    %cond3A_21 = arith.constant 0 : i32
    %cond3A_22 = arith.cmpi ne, %convert_element_type3A_20, %cond3A_21 : i32
    scf.if %cond3A_22 {
      %get3A_28 = arith.constant 0 : index
      %get3A_29 = arith.constant 0 : index
      %get3A_30 = vector.load %arg10[%get3A_28, %get3A_29] : memref<200x64xf32, #tpu.memory_space<vmem>>, vector<200x64xf32>
      %get3A_31 = arith.constant 0 : index
      %get3A_32 = arith.constant 0 : index
      %get3A_33 = vector.load %arg3[%get3A_31, %get3A_32] : memref<6400x64xf32, #tpu.memory_space<vmem>>, vector<6400x64xf32>
      %dot_general3A_34 = arith.constant dense<0.000000e+00> : vector<200x64xf32>
      %dot_general3A_35 = tpu.matmul %convert_element_type3A_9, %get3A_33, %dot_general3A_34 {dimension_numbers = #tpu.dot_dimension_numbers<[1], [0], [0], [1], [0, 0, 1, 1], [], []>, transpose_lhs_hint = false} : vector<200x6400xf32>, vector<6400x64xf32>, vector<200x64xf32> -> vector<200x64xf32>
      %add3A_36 = arith.addf %get3A_30, %dot_general3A_35 : vector<200x64xf32>
      %swap3A_37 = arith.constant 0 : index
      %swap3A_38 = arith.constant 0 : index
      %swap3A_39 = vector.load %arg10[%swap3A_37, %swap3A_38] : memref<200x64xf32, #tpu.memory_space<vmem>>, vector<200x64xf32>
      tpu.vector_store %arg10[%swap3A_37, %swap3A_38], %add3A_36 {strides = array<i32>} : memref<200x64xf32, #tpu.memory_space<vmem>>, vector<200x64xf32>,
    } else {
    }
    %eq3A_23 = arith.constant 7 : i32
    %eq3A_24 = arith.cmpi eq, %arg0, %eq3A_23 : i32
    %convert_element_type3A_25 = arith.extui %eq3A_24 : i1 to i32
    %cond3A_26 = arith.constant 0 : i32
    %cond3A_27 = arith.cmpi ne, %convert_element_type3A_25, %cond3A_26 : i32
    scf.if %cond3A_27 {
      %get3A_28 = arith.constant 0 : index
      %get3A_29 = arith.constant 0 : index
      %get3A_30 = vector.load %arg10[%get3A_28, %get3A_29] : memref<200x64xf32, #tpu.memory_space<vmem>>, vector<200x64xf32>
      %slice3A = vector.extract_strided_slice %convert_element_type3A_9 {offsets = [0, 0], sizes = [200, 4000], strides = [1, 1]} : vector<200x6400xf32> to vector<200x4000xf32>
      %get3A_31 = arith.constant 0 : index
      %get3A_32 = arith.constant 0 : index
      %get3A_33 = vector.load %arg4[%get3A_31, %get3A_32] : memref<4000x64xf32, #tpu.memory_space<vmem>>, vector<4000x64xf32>
      %dot_general3A_34 = arith.constant dense<0.000000e+00> : vector<200x64xf32>
      %dot_general3A_35 = tpu.matmul %slice3A, %get3A_33, %dot_general3A_34 {dimension_numbers = #tpu.dot_dimension_numbers<[1], [0], [0], [1], [0, 0, 1, 1], [], []>, transpose_lhs_hint = false} : vector<200x4000xf32>, vector<4000x64xf32>, vector<200x64xf32> -> vector<200x64xf32>
      %add3A_36 = arith.addf %get3A_30, %dot_general3A_35 : vector<200x64xf32>
      %swap3A_37 = arith.constant 0 : index
      %swap3A_38 = arith.constant 0 : index
      %swap3A_39 = vector.load %arg10[%swap3A_37, %swap3A_38] : memref<200x64xf32, #tpu.memory_space<vmem>>, vector<200x64xf32>
      tpu.vector_store %arg10[%swap3A_37, %swap3A_38], %add3A_36 {strides = array<i32>} : memref<200x64xf32, #tpu.memory_space<vmem>>, vector<200x64xf32>,
      %get3A_40 = arith.constant 0 : index
      %get3A_41 = arith.constant 0 : index
      %get3A_42 = vector.load %arg10[%get3A_40, %get3A_41] : memref<200x64xf32, #tpu.memory_space<vmem>>, vector<200x64xf32>
      %mul3A = arith.constant 6.10351563E-5 : f32
      %mul3A_43 = vector.broadcast %mul3A : f32 to vector<200x64xf32>
      %mul3A_44 = arith.mulf %get3A_42, %mul3A_43 : vector<200x64xf32>
      %get3A_45 = arith.constant 0 : index
      %get3A_46 = arith.constant 0 : index
      %get3A_47 = vector.load %arg5[%get3A_45, %get3A_46] : memref<64x256xf32, #tpu.memory_space<vmem>>, vector<64x256xf32>
      %dot_general3A_48 = arith.constant dense<0.000000e+00> : vector<200x256xf32>
      %dot_general3A_49 = tpu.matmul %mul3A_44, %get3A_47, %dot_general3A_48 {dimension_numbers = #tpu.dot_dimension_numbers<[1], [0], [0], [1], [0, 0, 1, 1], [], []>, transpose_lhs_hint = false} : vector<200x64xf32>, vector<64x256xf32>, vector<200x256xf32> -> vector<200x256xf32>
      %get3A_50 = arith.constant 0 : index
      %get3A_51 = arith.constant 0 : index
      %get3A_52 = vector.load %arg6[%get3A_50, %get3A_51] : memref<1x256xf32, #tpu.memory_space<vmem>>, vector<1x256xf32>
      %add3A_53 = vector.broadcast %get3A_52 : vector<1x256xf32> to vector<200x256xf32>
      %add3A_54 = arith.addf %dot_general3A_49, %add3A_53 : vector<200x256xf32>
      %tanh3A = math.tanh %add3A_54 : vector<200x256xf32>
      %get3A_55 = arith.constant 0 : index
      %get3A_56 = arith.constant 0 : index
      %get3A_57 = vector.load %arg7[%get3A_55, %get3A_56] : memref<256x5xf32, #tpu.memory_space<vmem>>, vector<256x5xf32>
      %dot_general3A_58 = arith.constant dense<0.000000e+00> : vector<200x5xf32>
      %dot_general3A_59 = tpu.matmul %tanh3A, %get3A_57, %dot_general3A_58 {dimension_numbers = #tpu.dot_dimension_numbers<[1], [0], [0], [1], [0, 0, 1, 1], [], []>, transpose_lhs_hint = false} : vector<200x256xf32>, vector<256x5xf32>, vector<200x5xf32> -> vector<200x5xf32>
      %get3A_60 = arith.constant 0 : index
      %get3A_61 = arith.constant 0 : index
      %get3A_62 = vector.load %arg8[%get3A_60, %get3A_61] : memref<1x5xf32, #tpu.memory_space<vmem>>, vector<1x5xf32>
      %add3A_63 = vector.broadcast %get3A_62 : vector<1x5xf32> to vector<200x5xf32>
      %add3A_64 = arith.addf %dot_general3A_59, %add3A_63 : vector<200x5xf32>
      %reduce_max3A = arith.constant dense<0xFF800000> : vector<5xf32>
      %reduce_max3A_65 = vector.multi_reduction <maximumf>, %add3A_64, %reduce_max3A [0] : vector<200x5xf32> to vector<5xf32>
      %broadcast_in_dim3A = vector.shape_cast %reduce_max3A_65 : vector<5xf32> to vector<1x5xf32>
      %sub3A = vector.broadcast %broadcast_in_dim3A : vector<1x5xf32> to vector<200x5xf32>
      %sub3A_66 = arith.subf %add3A_64, %sub3A : vector<200x5xf32>
      %exp3A = math.exp %sub3A_66 : vector<200x5xf32>
      %reduce_sum3A = arith.constant dense<0.000000e+00> : vector<5xf32>
      %reduce_sum3A_67 = vector.multi_reduction <add>, %exp3A, %reduce_sum3A [0] : vector<200x5xf32> to vector<5xf32>
      %broadcast_in_dim3A_68 = vector.shape_cast %reduce_sum3A_67 : vector<5xf32> to vector<1x5xf32>
      %log3A = math.log %broadcast_in_dim3A_68 : vector<1x5xf32>
      %add3A_69 = arith.addf %log3A, %broadcast_in_dim3A : vector<1x5xf32>
      %sub3A_70 = vector.broadcast %add3A_69 : vector<1x5xf32> to vector<200x5xf32>
      %sub3A_71 = arith.subf %add3A_64, %sub3A_70 : vector<200x5xf32>
      %swap3A_72 = arith.constant 0 : index
      %swap3A_73 = arith.constant 0 : index
      %swap3A_74 = vector.load %arg9[%swap3A_72, %swap3A_73] : memref<200x5xf32, #tpu.memory_space<vmem>>, vector<200x5xf32>
      tpu.vector_store %arg9[%swap3A_72, %swap3A_73], %sub3A_71 {strides = array<i32>} : memref<200x5xf32, #tpu.memory_space<vmem>>, vector<200x5xf32>,
    } else {
    }
    return
  }
  func.func @transform_0(%arg0: i32) -> (i32, i32) {
    %c0_i32 = arith.constant 0 : i32
    %c0_i32_0 = arith.constant 0 : i32
    return %c0_i32, %arg0 : i32, i32
  }
  func.func @transform_1(%arg0: i32) -> (i32, i32) {
    %c0_i32 = arith.constant 0 : i32
    %c0_i32_0 = arith.constant 0 : i32
    return %arg0, %c0_i32 : i32, i32
  }
  func.func @transform_2(%arg0: i32) -> (i32, i32) {
    %add3A = arith.constant 8 : i32
    %add3A_0 = arith.addi %arg0, %add3A : i32
    %min3A = arith.constant 14 : i32
    %min3A_1 = arith.minsi %add3A_0, %min3A : i32
    %c0_i32 = arith.constant 0 : i32
    %c0_i32_2 = arith.constant 0 : i32
    return %min3A_1, %c0_i32 : i32, i32
  }
  func.func @transform_3(%arg0: i32) -> (i32, i32) {
    %c24_i32 = arith.constant 24 : i32
    %c0_i32 = arith.constant 0 : i32
    %c0_i32_0 = arith.constant 0 : i32
    return %c24_i32, %c0_i32 : i32, i32
  }
  func.func @transform_4(%arg0: i32) -> (i32, i32) {
    %c0_i32 = arith.constant 0 : i32
    %c0_i32_0 = arith.constant 0 : i32
    %c0_i32_1 = arith.constant 0 : i32
    return %c0_i32, %c0_i32_0 : i32, i32
  }
  func.func @transform_5(%arg0: i32) -> (i32, i32) {
    %c0_i32 = arith.constant 0 : i32
    %c0_i32_0 = arith.constant 0 : i32
    %c0_i32_1 = arith.constant 0 : i32
    return %c0_i32, %c0_i32_0 : i32, i32
  }
  func.func @transform_6(%arg0: i32) -> (i32, i32) {
    %c0_i32 = arith.constant 0 : i32
    %c0_i32_0 = arith.constant 0 : i32
    %c0_i32_1 = arith.constant 0 : i32
    return %c0_i32, %c0_i32_0 : i32, i32
  }
  func.func @transform_7(%arg0: i32) -> (i32, i32) {
    %c0_i32 = arith.constant 0 : i32
    %c0_i32_0 = arith.constant 0 : i32
    %c0_i32_1 = arith.constant 0 : i32
    return %c0_i32, %c0_i32_0 : i32, i32
  }
  func.func @transform_8(%arg0: i32) -> (i32, i32) {
    %c0_i32 = arith.constant 0 : i32
    %c0_i32_0 = arith.constant 0 : i32
    %c0_i32_1 = arith.constant 0 : i32
    return %c0_i32, %c0_i32_0 : i32, i32
  }
}

</mosaic_0001>

<sc_bundles>
// kernel: kernel.4.cloned.1.call-start
scs
__scs_entry_jumppad:
0x0: {  	(pc) =	sbr.rel $0x88, $3  }
0x1: {  	(tag) =	ssettag $0x0;
	lr =	simm.s32 $0x1  }
0x2: {  	[smem:$0x3F9B] =	sst lr;
	_ =	strace $0xD0000000  }
0x3: {  	_ = 	snop  }
0x4: {  	_ = 	snop  }
0x5: {  	_ = 	snop  }
0x6: {  	_ = 	snop  }
0x7: {  	_ = 	snop  }
__scs_overlays_trampoline_lowered:
0x8: {  	[smem:$0x3FAA] =	sst s0  }
0x9: {  	[smem:$0x3FAB] =	sst s1  }
0xa: {  	[smem:$0x3FAC] =	sst s2  }
0xb: {  	[smem:$0x3FAD] =	sst s3  }
0xc: {  	[smem:$0x3FAE] =	sst s4  }
0xd: {  	[smem:$0x3FAF] =	sst s5  }
0xe: {  	[smem:$0x3FB0] =	sst s6  }
0xf: {  	[smem:$0x3FB1] =	sst s7  }
0x10: {  	[smem:$0x3FB2] =	sst s8  }
0x11: {  	[smem:$0x3FB3] =	sst s9;
	s0 =	simm.s32 @!p0 $0x0  }
0x12: {  	s1 =	sld [smem:$0x3F99];
	s0 =	simm.s32 @p0 $0x1  }
0x13: {  	[smem:$0x3FB4] =	sst s0;
	s0 =	simm.s32 @!p1 $0x0  }
0x14: {  	s2 =	sld [smem:$0x3F98];
	s0 =	simm.s32 @p1 $0x1  }
0x15: {  	[smem:$0x3FB5] =	sst s0;
	s0 =	simm.s32 @!p2 $0x0  }
0x16: {  	s3 =	sld [smem:$0x3FDB];
	s0 =	simm.s32 @p2 $0x1  }
0x17: {  	s4 =	simm.s32 $0x1BF5;
	[smem:$0x3FB7] =	sst s0  }
0x18: {  	s0 =	sld [smem:$0x3F9A];
	_ =	swait.ge [sflag:s4], $0x0  }
0x19: {  	s7 =	sld [smem:$0x3F9B]  }
0x1a: {  	s8 =	sadd.s32 $0xFFFFE003, lr  }
0x1b: {  	s9 =	sadd.s32 $0xFFFFFEF7, lr;
	s5 =	simm.s32 $0xFFFFFFFF;
	p2 =	slt.u32 s8, $0xFFFFF086  }
0x1c: {  	p1 =	slt.u32 s9, $0xF7A;
	s5 =	simm.s32 @!p2 $0x0  }
0x1d: {  	s5 =	simm.s32 @p1 $0x1;
	p0 =	seq.s32 s7, s2  }
0x1e: {  	s7 =	smul.u32 @!p0 $0xF7A, s2;
	p2 =	seq.s32 @!p0 s5, $0x0  }
0x1f: {  	s9 =	smul.u32 $0xF7A, s1;
	s8 =	simm.s32 @!p0 $0x1BF5;
	p2 =	por !p2, p0  }
0x20: {  	[sflag:s8] =	ssyncset.s32 @!p0 $0xFFFFF086;
	s6 =	sadd.s32 @!p0 s3, s7;
	s7 =	simm.s32 @!p0 $0x108  }
0x21: {  	s3 =	sadd.s32 s3, s9;
	s6 =	sadd.s32 @!p0 $0x88, s6;
	s7 =	simm.s32 @p2 $0x1082  }
0x22: {  	[simem:s7], [sflag:s8] =	dma.local @!p0 [hbm:s6], $0xF7A  }
0x23: {  	s9 =	sor.u32 $0xD0000000, s2;
	s6 =	simm.s32 $0x108;
	_ =	swait.ge @!p0 [sflag:s8], $0x0  }
0x24: {  	s3 =	sadd.s32 $0x88, s3;
	s6 =	simm.s32 @!p1 $0x1082;
	[sflag:s4] =	ssyncset.s32 $0xFFFFF086  }
0x25: {  	[simem:s6], [sflag:s4] =	dma.local [hbm:s3], $0xF7A  }
0x26: {  	[smem:$0x3F9B] =	sst s1;
	(tag) =	ssettag s2;
	_ =	strace s9  }
0x27: {  	s1 =	sld [smem:$0x3FAB]  }
0x28: {  	s2 =	sld [smem:$0x3FAC]  }
0x29: {  	s4 =	sld [smem:$0x3FAE]  }
0x2a: {  	p0 =	seq.s32 s5, $0x0;
	s5 =	sld [smem:$0x3FAF]  }
0x2b: {  	s6 =	sld [smem:$0x3FB0]  }
0x2c: {  	s7 =	sld [smem:$0x3FB1]  }
0x2d: {  	s3 =	simm.s32 $0x108;
	s8 =	sld [smem:$0x3FB2]  }
0x2e: {  	s3 =	simm.s32 @!p0 $0x1082;
	s9 =	sld [smem:$0x3FB3]  }
0x2f: {  	lr =	sadd.s32 s0, s3;
	s0 =	sld [smem:$0x3FAA]  }
0x30: {  	s3 =	sld [smem:$0x3FAD]  }
0x31: {  	[smem:$0x3FB6] =	sst s10  }
0x32: {  	s10 =	sld [smem:$0x3FB4];
	_ =	sdelay $0x3  }
0x33: {  	p0 =	seq.s32 s10, $0x1;
	s10 =	sld [smem:$0x3FB6];
	_ =	sdelay $0x3  }
0x34: {  	[smem:$0x3FB6] =	sst s10  }
0x35: {  	s10 =	sld [smem:$0x3FB5];
	_ =	sdelay $0x3  }
0x36: {  	p1 =	seq.s32 s10, $0x1;
	s10 =	sld [smem:$0x3FB6];
	_ =	sdelay $0x3  }
0x37: {  	[smem:$0x3FB6] =	sst s10  }
0x38: {  	s10 =	sld [smem:$0x3FB7]  }
0x39: {  	_ = 	snop;
	(pc) =	sbr.ind lr, $3  }
0x3a: {  	_ = 	snop  }
0x3b: {  	_ = 	snop  }
0x3c: {  	p2 =	seq.s32 s10, $0x1;
	s10 =	sld [smem:$0x3FB6]  }
0x3d: {  	_ =	shalt  }
0x3e: {  	_ =	shalt  }
0x3f: {  	_ =	shalt  }
0x40: {  	_ =	shalt  }
0x41: {  	_ =	shalt  }
0x42: {  	_ =	shalt  }
0x43: {  	_ =	shalt  }
0x44: {  	_ =	shalt  }
0x45: {  	_ =	shalt  }
0x46: {  	_ =	shalt  }
0x47: {  	_ =	shalt  }
0x48: {  	_ =	shalt  }
0x49: {  	_ =	shalt  }
0x4a: {  	_ =	shalt  }
0x4b: {  	_ =	shalt  }
0x4c: {  	_ =	shalt  }
0x4d: {  	_ =	shalt  }
0x4e: {  	_ =	shalt  }
0x4f: {  	_ =	shalt  }
0x50: {  	_ =	shalt  }
0x51: {  	_ =	shalt  }
0x52: {  	_ =	shalt  }
0x53: {  	_ =	shalt  }
0x54: {  	_ =	shalt  }
0x55: {  	_ =	shalt  }
0x56: {  	_ =	shalt  }
0x57: {  	_ =	shalt  }
0x58: {  	_ =	shalt  }
0x59: {  	_ =	shalt  }
0x5a: {  	_ =	shalt  }
0x5b: {  	_ =	shalt  }
0x5c: {  	_ =	shalt  }
0x5d: {  	_ =	shalt  }
0x5e: {  	_ =	shalt  }
0x5f: {  	_ =	shalt  }
0x60: {  	_ =	shalt  }
0x61: {  	_ =	shalt  }
0x62: {  	_ =	shalt  }
0x63: {  	_ =	shalt  }
0x64: {  	_ =	shalt  }
0x65: {  	_ =	shalt  }
0x66: {  	_ =	shalt  }
0x67: {  	_ =	shalt  }
0x68: {  	_ =	shalt  }
0x69: {  	_ =	shalt  }
0x6a: {  	_ =	shalt  }
0x6b: {  	_ =	shalt  }
0x6c: {  	_ =	shalt  }
0x6d: {  	_ =	shalt  }
0x6e: {  	_ =	shalt  }
0x6f: {  	_ =	shalt  }
0x70: {  	_ =	shalt  }
0x71: {  	_ =	shalt  }
0x72: {  	_ =	shalt  }
0x73: {  	_ =	shalt  }
0x74: {  	_ =	shalt  }
0x75: {  	_ =	shalt  }
0x76: {  	_ =	shalt  }
0x77: {  	_ =	shalt  }
0x78: {  	_ =	shalt  }
0x79: {  	_ =	shalt  }
0x7a: {  	_ =	shalt  }
0x7b: {  	_ =	shalt  }
0x7c: {  	_ =	shalt  }
0x7d: {  	_ =	shalt  }
0x7e: {  	_ =	shalt  }
0x7f: {  	_ =	shalt  }
0x80: {  	_ =	shalt  }
0x81: {  	_ =	shalt  }
0x82: {  	_ =	shalt  }
0x83: {  	_ =	shalt  }
0x84: {  	_ =	shalt  }
0x85: {  	_ =	shalt  }
0x86: {  	_ =	shalt  }
0x87: {  	_ =	shalt  }
.Lfunc_end0:
.L_simem_size_0:
called_computation_lowered:
.L_overlay_start_0:
0x88: {  	s2 =	sld [smem:$0x3FD9]  }
0x89: {  	s3 =	sld [smem:$0x3FFE];
	_ =	sdelay $0x1  }
0x8a: {  	s1 =	srdreg.scid  }
0x8b: {  	s0 =	sand.u32 $0x1, s1  }
0x8c: {  	s17 =	sshll.u32 s0, $0xA;
	s2 =	sadd.s32 s3, s2  }
0x8d: {  	s2 =	sadd.s32 s2, s17  }
0x8e: {  	[smem:$0x3FC2] =	sst s2  }
0x8f: {  	_ = 	snop  }
0x90: {  	s2 =	sld [smem:$0x3FC9];
	(tm) =	ssettm $0x1  }
0x91: {  	s18 =	sld [smem:$0x3FFB];
	_ =	sdelay $0x3  }
0x92: {  	_ =	strace s18  }
0x93: {  	s3 =	sld [smem:$0x3FFC];
	_ =	sdelay $0x3  }
0x94: {  	_ =	strace s3  }
0x95: {  	s3 =	sld [smem:$0x3FFD];
	_ =	sdelay $0x3  }
0x96: {  	_ =	strace s3  }
0x97: {  	_ =	strace $0x8FFFFFFF  }
0x98: {  	s19 =	sld [smem:$0x3FDB];
	_ =	sdelay $0x1  }
0x99: {  	s4 =	simm.s32 $_scs_section_size  }
0x9a: {  	s5 =	simm.s32 $_size__tile_overlayer_lowered;
	s6 =	simm.s32 $_tile_overlayer_lowered  }
0x9b: {  	s22 =	simm.s32 $0x1BFF;
	s21 =	sshll.u32 s6, $0x1;
	s3 =	sadd.s32 s4, s19  }
0x9c: {  	s7 =	simm.s32 $0x0;
	s20 =	sshll.u32 s5, $0x1;
	s5 =	sadd.s32 s21, s3  }
0x9d: {  	[timem:s7], [sflag:s22] =	dma.local [hbm:s5], s20  }
0x9e: {  	_ =	swait.ge [sflag:s22], s20  }
0x9f: {  	s4 =	ssub.s32 $0x0, s20;
	[sflag:s22] =	ssyncset.done $0x0  }
0xa0: {  	[sflag:s22] =	ssyncadd.s32 s4;
	_ =	sdelay $0x1  }
0xa1: {  	s23 =	simm.s32 $0x1B8B  }
0xa2: {  	_ =	swait.ge [sflag:s23], $0x1  }
0xa3: {  	[sflag:s23] =	ssyncset.done $0x0  }
0xa4: {  	s25 =	simm.s32 $0x1B8E;
	s24 =	sld [smem:$0x3FFE];
	[sflag:s23] =	ssyncadd.s32 $0xFFFFFFFF  }
0xa5: {  	s26 =	simm.s32 $execute0_lowered;
	[smem:$0x3FD2] =	sst s25  }
0xa6: {  	s5 =	sshll.u32 s26, $0x1;
	_ =	strace $0x80000046;
	[dreg:$0x1] =	wrdreg $0xFFFFFFFF  }
0xa7: {  	s28 =	simm.s32 $_size_execute0_lowered;
	s3 =	sadd.s32 s3, s5;
	[dreg:$0x0] =	wrdreg $0x0  }
0xa8: {  	s5 =	sshll.u32 s28, $0x1;
	[dreg:$0x2] =	wrdreg s3  }
0xa9: {  	[dreg:$0x3] =	wrdreg s5  }
0xaa: {  	[dreg:$0x4] =	wrdreg $0xC0  }
0xab: {  	_ =	task [dreg:s7], $0x5FFFF  }
0xac: {  	[dreg:$0x1] =	wrdreg $0xFFFFFFFF  }
0xad: {  	[dreg:$0x0] =	wrdreg $0x60  }
0xae: {  	[dreg:$0x2] =	wrdreg s2  }
0xaf: {  	[dreg:$0x3] =	wrdreg s24  }
0xb0: {  	[dreg:$0x4] =	wrdreg $0x9  }
0xb1: {  	_ =	task.clear_ibuf [dreg:s7], $0x5FFFF;
	_ =	strace $0x90000046  }
0xb2: {  	s29 =	simm.s32 $0x9;
	_ =	strace $0x80000048  }
0xb3: {  	_ =	swait.ge [sflag:s29], $0x1  }
0xb4: {  	[sflag:s29] =	ssyncadd.s32 $0xFFFFFFFF  }
0xb5: {  	_ =	strace $0x90000048  }
0xb6: {  	_ =	sfence  }
0xb7: {  	s30 =	sld [smem:$0x0];
	_ =	sdelay $0x2  }
0xb8: {  	s31 =	sshll.u32 s1, $0xD;
	s1 =	sshrl.u32 s1, $0x2  }
0xb9: {  	s3 =	sand.u32 $0x4000, s31;
	s1 =	sadd.s32 s1, s30  }
0xba: {  	s0 =	sor.u32 s3, s0;
	s1 =	sshll.u32 s1, $0x11  }
0xbb: {  	s0 =	sor.u32 s1, s0  }
0xbc: {  	s0 =	sadd.s32 $0x8F2B, s0  }
0xbd: {  	[sflag:s0] =	ssyncadd.remote.s32 $0x1  }
0xbe: {  	_ =	sfence.sel $0xFFFF  }
0xbf: {  	[dreg:$0x0] =	wrdreg $0xFFFFFFFF;
	(pc) =	sbr.abs _section_cstart, $3  }
0xc0: {  	[dreg:$0x1] =	wrdreg $0xFFFFFFFF  }
0xc1: {  	_ =	task.clear_ibuf [dreg:s7], $0x2FFFF;
	_ =	strace $0x9FFFFFFF  }
0xc2: {  	(tm) =	ssettm $0x7FFFFFFF  }
0xc3: {  	_ =	shalt  }
tec
execute0_lowered:
.L_overlay_start_1:
0x0: {  	(tag) =	ssettag $0x1  }
0x1: {  	s15 =	rddreg [dreg:$0x0]  }
0x2: {  	s3 =	rddreg [dreg:$0x1]  }
0x3: {  	s0 =	rddreg [dreg:$0x2]  }
0x4: {  	s2 =	simm.s32 $0x0;
	s4 =	srdreg.scid;
	s1 =	stileid.u32  }
0x5: {  	[smem:$0x7FF] =	sst s2;
	s16 =	sadd.s32 $0xE00, s3;
	s31 =	sand.u32 $0x1, s4  }
0x6: {  	s6 =	sshll.u32 s1, $0x8;
	s11 =	sshrl.u32 s1, $0x2;
	p0 =	sgt.u32 s1, $0x3  }
0x7: {  	_ =	strace $0x80000047;
	s5 =	sshll.u32 s31, $0x7;
	s4 =	sand.u32 $0x300, s6  }
0x8: {  	s3 =	ssub.s32 $0x2, s31;
	s7 =	sshll.u32 s11, $0x11;
	s6 =	smul.u32 $0x64000, s11  }
0x9: {  	s10 =	sor.u32 $0x4, s11;
	s19 =	sor.u32 $0x8, s11;
	s21 =	sor.u32 $0xC, s11  }
0xa: {  	s23 =	sor.u32 $0x10, s11;
	s11 =	sor.u32 $0x14, s11;
	s14 =	sor.u32 s5, s4  }
0xb: {  	s8 =	sshrl.u32 s3, $0x1;
	s13 =	sshll.u32 s10, $0x11;
	s26 =	sshll.u32 s11, $0x11  }
0xc: {  	s4 =	sor.u32 s7, s14;
	s17 =	ssub.s32 s3, s8;
	s12 =	sor.u32 s6, s14  }
0xd: {  	s6 =	sor.u32 s14, s13;
	s7 =	smul.u32 $0x64000, s10;
	s8 =	sshll.u32 s19, $0x11  }
0xe: {  	s10 =	sshll.u32 s21, $0x11;
	s13 =	sshll.u32 s23, $0x11;
	s29 =	sor.u32 s14, s26  }
0xf: {  	s31 =	sshrl.u32 s14, $0x3;
	s9 =	sshrl.u32 s4, $0x3;
	s5 =	sshrl.u32 s12, $0x3  }
0x10: {  	s18 =	sshrl.u32 s6, $0x3;
	s8 =	sor.u32 s14, s8;
	s10 =	sor.u32 s14, s10  }
0x11: {  	s12 =	smul.u32 $0x64000, s21;
	s13 =	sor.u32 s14, s13;
	s17 =	smax.u32 s17, $0x1  }
0x12: {  	s21 =	simm.s32 $0x4000;
	s3 =	sadd.s32 s15, s9;
	s4 =	sadd.s32 s16, s5  }
0x13: {  	s5 =	sadd.s32 s15, s18;
	s7 =	sor.u32 s14, s7;
	s9 =	smul.u32 $0x64000, s19  }
0x14: {  	s20 =	sshrl.u32 s8, $0x3;
	s22 =	sshrl.u32 s10, $0x3;
	s18 =	smul.u32 $0x64000, s23  }
0x15: {  	s24 =	sshrl.u32 s13, $0x3;
	s19 =	smul.u32 $0x64000, s11;
	s13 =	sshrl.u32 s29, $0x3  }
0x16: {  	s23 =	simm.s32 $0x1;
	s7 =	sshrl.u32 s7, $0x3;
	s12 =	sor.u32 s14, s12  }
0x17: {  	s11 =	sadd.s32 s15, s24;
	s13 =	sadd.s32 s15, s13;
	s24 =	simm.s32 $0x2  }
0x18: {  	s6 =	sadd.s32 s16, s7;
	s7 =	sadd.s32 s15, s20;
	s9 =	sor.u32 s14, s9  }
0x19: {  	s12 =	sshrl.u32 s12, $0x3;
	s25 =	sor.u32 s14, s18;
	s30 =	sor.u32 s14, s19  }
0x1a: {  	s19 =	simm.s32 $0x400;
	s20 =	simm.s32 $0x3;
	s9 =	sshrl.u32 s9, $0x3  }
.Ltmp0:
0x1b: {  	s10 =	sadd.s32 s16, s12;
	s28 =	sshrl.u32 s25, $0x3;
	(pc) =	sbr.rel .LBB2_1-.Ltmp0, $4  }
0x1c: {  	s18 =	sshrl.u32 s30, $0x3;
	s25 =	simm.s32 $0x0;
	s8 =	sadd.s32 s16, s9  }
0x1d: {  	s9 =	sadd.s32 s15, s22;
	s12 =	sadd.s32 s16, s28;
	s14 =	sadd.s32 s16, s18  }
0x1e: {  	s15 =	sadd.s32 s31, s15;
	s16 =	sadd.s32 s31, s16;
	s18 =	simm.s32 $0x80  }
0x1f: {  	v0 =	vimm.s32 $0x0;
	v1 =	vimm.s32 $0x1;
	s22 =	simm.s32 $0x10800;
	s15 =	sadd.s32 $0x60000, s15;
	s16 =	sadd.s32 $0x12C000, s16  }
.LBB2_30:
0x20: {  	_ =	sdelay $0x3  }
0x21: {  	[tilespmem:v8+s21+$0x0] =	vst.idx.add.s32.msk $0xffff, v9  }
0x22: {  	[tilespmem:v2+s21+$0x0] =	vst.idx.add.s32.msk $0xffff, v11  }
0x23: {  	[tilespmem:v3+s21+$0x0] =	vst.idx.add.s32.msk $0xffff, v10  }
0x24: {  	v2 =	vsel vm0, $0x10000, v1;
	[tilespmem:v6+s21+$0x0] =	vst.idx.add.s32.msk $0xffff, v7  }
0x25: {  	v3 =	vsel vm1, $0x10000, v1;
	[tilespmem:v4+s21+$0x0] =	vst.idx.add.s32.msk $0xffff, v2  }
0x26: {  	[tilespmem:v5+s21+$0x0] =	vst.idx.add.s32.msk $0xffff, v3  }
0x27: {  	[hbm4b:s16+s18] =	stream.strided.scatter [tilespmem:s21], [sflag:$0x1], $0xC800, s19, s18, $0x38;
	[tilespmem:$0x1D000] =	vst v63  }
0x28: {  	_ =	swait.ge [sflag:s23], $0xC800  }
0x29: {  	[sflag:s23] =	ssyncset.done $0x0  }
0x2a: {  	[sflag:s23] =	ssyncadd.s32 $0xFFFF3800  }
.LBB2_31:
0x2b: {  	s25 =	sadd.s32 $0x1, s25  }
0x2c: {  	p1 =	sne.s32 s25, s17  }
.Ltmp1:
0x2d: {  	_ = 	snop;
	(pc) =	sbr.rel @!p1 .LBB2_32-.Ltmp1, $4  }
0x2e: {  	_ = 	snop  }
0x2f: {  	_ =	swait.ge [sflag:s24], $0xC800  }
0x30: {  	[sflag:s24] =	ssyncset.done $0x0  }
0x31: {  	[sflag:s24] =	ssyncadd.s32 $0xFFFF3800  }
.LBB2_1:
0x32: {  	s26 =	simm.s32 $0x4040  }
0x33: {  	[tilespmem:s26+$0xFFFFFFC0] =	vst v0  }
0x34: {  	[tilespmem:s26+$0x30] =	vst v0  }
0x35: {  	[tilespmem:s26+$0x20] =	vst v0  }
0x36: {  	[tilespmem:s26+$0x10] =	vst v0  }
0x37: {  	[tilespmem:s26+$0x0] =	vst v0  }
0x38: {  	[tilespmem:s26+$0xFFFFFFF0] =	vst v0  }
0x39: {  	s28 =	simm.s32 $0x0;
	[tilespmem:s26+$0xFFFFFFE0] =	vst v0  }
.LBB2_2:
0x3a: {  	s28 =	sadd.s32 $0x80, s28;
	[tilespmem:s26+$0xFFFFFFD0] =	vst v0;
	s26 =	sadd.s32 $0x80, s26  }
0x3b: {  	[tilespmem:s26+$0xFFFFFFC0] =	vst v0;
	p1 =	slt.u32 s28, $0xC780  }
0x3c: {  	[tilespmem:s26+$0x30] =	vst v0  }
.Ltmp2:
0x3d: {  	[tilespmem:s26+$0x20] =	vst v0;
	(pc) =	sbr.rel @p1 .LBB2_2-.Ltmp2, $4  }
0x3e: {  	[tilespmem:s26+$0x10] =	vst v0  }
0x3f: {  	[tilespmem:s26+$0x0] =	vst v0  }
0x40: {  	[tilespmem:s26+$0xFFFFFFF0] =	vst v0  }
0x41: {  	[tilespmem:s26+$0xFFFFFFE0] =	vst v0  }
0x42: {  	[tilespmem:s26+$0xFFFFFFD0] =	vst v0  }
0x43: {  	[tilespmem:s2], [sflag:$0x3] =	stream.strided.gather [hbm4b:s3+s18], $0x4000, s19, s18, $0x38;
	[tilespmem:$0x1D000] =	vst v63  }
0x44: {  	_ =	swait.ge [sflag:s20], $0x4000  }
0x45: {  	[sflag:s20] =	ssyncset.done $0x0  }
0x46: {  	s31 =	simm.s32 $0x40;
	[sflag:s20] =	ssyncadd.s32 $0xFFFFC000  }
0x47: {  	v2 =	vld [tilespmem:s31+$0x30]  }
0x48: {  	v3 =	vld [tilespmem:s31+$0xFFFFFFD0]  }
0x49: {  	v4 =	vld [tilespmem:s31+$0xFFFFFFE0]  }
0x4a: {  	v5 =	vld [tilespmem:s31+$0xFFFFFFF0]  }
0x4b: {  	v6 =	vld [tilespmem:s31+$0x0]  }
0x4c: {  	v7 =	vld [tilespmem:s31+$0x10]  }
0x4d: {  	v8 =	vld [tilespmem:s31+$0x20]  }
0x4e: {  	v10 =	vld [tilespmem:s31+$0xFFFFFFC0];
	_ =	sdelay $0x1  }
0x4f: {  	vm2 =	vgt.s32 v2, $0xC7FF;
	vm3 =	vgt.s32 v3, $0xC7FF;
	vm4 =	vgt.s32 v4, $0xC7FF  }
0x50: {  	vm5 =	vgt.s32 v5, $0xC7FF;
	vm6 =	vgt.s32 v6, $0xC7FF;
	vm0 =	vgt.s32 v7, $0xC7FF  }
0x51: {  	vm1 =	vgt.s32 v8, $0xC7FF;
	v9 =	vsel vm2, $0xFFFF3800, v0;
	v11 =	vsel vm3, $0xFFFF3800, v0  }
0x52: {  	v12 =	vsel vm2, $0x10000, v1;
	vm2 =	vgt.s32 v10, $0xC7FF;
	v9 =	vadd.s32 v2, v9  }
0x53: {  	v13 =	vsel vm1, $0xFFFF3800, v0;
	v11 =	vadd.s32 v3, v11;
	v2 =	vsel vm4, $0xFFFF3800, v0  }
0x54: {  	v3 =	vsel vm5, $0xFFFF3800, v0;
	v2 =	vadd.s32 v4, v2;
	v4 =	vsel vm6, $0xFFFF3800, v0  }
0x55: {  	v3 =	vadd.s32 v5, v3;
	v5 =	vsel vm0, $0xFFFF3800, v0;
	v6 =	vadd.s32 v6, v4  }
0x56: {  	v4 =	vadd.s32 v7, v5;
	v7 =	vsel vm2, $0xFFFF3800, v0;
	v5 =	vadd.s32 v8, v13  }
0x57: {  	v8 =	vadd.s32 v10, v7;
	v7 =	vsel vm3, $0x10000, v1;
	v10 =	vsel vm5, $0x10000, v1;
	[tilespmem:v9+s21+$0x0] =	vst.idx.add.s32.msk $0xffff, v12  }
0x58: {  	s26 =	simm.s32 $0x0;
	s28 =	simm.s32 $0xC0;
	v9 =	vsel vm2, $0x10000, v1;
	[tilespmem:v11+s21+$0x0] =	vst.idx.add.s32.msk $0xffff, v7;
	v11 =	vsel vm4, $0x10000, v1;
	v7 =	vsel vm6, $0x10000, v1  }
.LBB2_4:
0x59: {  	v12 =	vld [tilespmem:s28+$0x30];
	s26 =	sadd.s32 $0x80, s26;
	v13 =	vsel vm0, $0x10000, v1;
	v14 =	vsel vm1, $0x10000, v1  }
0x5a: {  	v15 =	vld [tilespmem:s28+$0xFFFFFFD0];
	p1 =	slt.u32 s26, $0x3F80  }
0x5b: {  	v16 =	vld [tilespmem:s28+$0xFFFFFFE0]  }
0x5c: {  	v17 =	vld [tilespmem:s28+$0xFFFFFFF0]  }
0x5d: {  	v18 =	vld [tilespmem:s28+$0x0]  }
0x5e: {  	v19 =	vld [tilespmem:s28+$0x10];
	vm6 =	vgt.s32 v12, $0xC7FF  }
0x5f: {  	vm2 =	vgt.s32 v15, $0xC7FF;
	v20 =	vld [tilespmem:s28+$0x20];
	v21 =	vsel vm6, $0xFFFF3800, v0  }
0x60: {  	v22 =	vld [tilespmem:s28+$0xFFFFFFC0];
	v23 =	vsel vm2, $0xFFFF3800, v0;
	vm3 =	vgt.s32 v16, $0xC7FF;
	v12 =	vadd.s32 v12, v21  }
0x61: {  	v15 =	vadd.s32 v15, v23;
	v21 =	vsel vm3, $0xFFFF3800, v0;
	vm4 =	vgt.s32 v17, $0xC7FF;
	[tilespmem:v8+s21+$0x0] =	vst.idx.add.s32.msk $0xffff, v9  }
0x62: {  	v8 =	vsel vm4, $0xFFFF3800, v0;
	vm5 =	vgt.s32 v18, $0xC7FF;
	[tilespmem:v2+s21+$0x0] =	vst.idx.add.s32.msk $0xffff, v11;
	v2 =	vadd.s32 v16, v21  }
0x63: {  	v9 =	vsel vm5, $0xFFFF3800, v0;
	vm0 =	vgt.s32 v19, $0xC7FF;
	[tilespmem:v3+s21+$0x0] =	vst.idx.add.s32.msk $0xffff, v10;
	v3 =	vadd.s32 v17, v8  }
.Ltmp3:
0x64: {  	v10 =	vsel vm6, $0x10000, v1;
	v8 =	vsel vm0, $0xFFFF3800, v0;
	vm1 =	vgt.s32 v20, $0xC7FF;
	[tilespmem:v6+s21+$0x0] =	vst.idx.add.s32.msk $0xffff, v7;
	(pc) =	sbr.rel @p1 .LBB2_4-.Ltmp3, $4  }
0x65: {  	v6 =	vadd.s32 v18, v9;
	vm6 =	vgt.s32 v22, $0xC7FF;
	v7 =	vsel vm1, $0xFFFF3800, v0;
	[tilespmem:v12+s21+$0x0] =	vst.idx.add.s32.msk $0xffff, v10  }
0x66: {  	v9 =	vsel vm6, $0xFFFF3800, v0;
	v7 =	vadd.s32 v20, v7;
	[tilespmem:v4+s21+$0x0] =	vst.idx.add.s32.msk $0xffff, v13;
	v4 =	vadd.s32 v19, v8  }
0x67: {  	v10 =	vsel vm2, $0x10000, v1;
	v8 =	vadd.s32 v22, v9;
	v9 =	vsel vm6, $0x10000, v1;
	[tilespmem:v5+s21+$0x0] =	vst.idx.add.s32.msk $0xffff, v14;
	v5 =	vmovc v7  }
0x68: {  	s28 =	sadd.s32 $0x80, s28;
	v11 =	vsel vm3, $0x10000, v1;
	v7 =	vsel vm5, $0x10000, v1;
	[tilespmem:v15+s21+$0x0] =	vst.idx.add.s32.msk $0xffff, v10;
	v10 =	vsel vm4, $0x10000, v1  }
0x69: {  	_ =	sdelay $0x3  }
0x6a: {  	[tilespmem:v8+s21+$0x0] =	vst.idx.add.s32.msk $0xffff, v9  }
0x6b: {  	[tilespmem:v2+s21+$0x0] =	vst.idx.add.s32.msk $0xffff, v11  }
0x6c: {  	[tilespmem:v3+s21+$0x0] =	vst.idx.add.s32.msk $0xffff, v10  }
0x6d: {  	v2 =	vsel vm0, $0x10000, v1;
	[tilespmem:v6+s21+$0x0] =	vst.idx.add.s32.msk $0xffff, v7  }
0x6e: {  	v3 =	vsel vm1, $0x10000, v1;
	[tilespmem:v4+s21+$0x0] =	vst.idx.add.s32.msk $0xffff, v2  }
0x6f: {  	s26 =	simm.s32 $0x10840;
	[tilespmem:v5+s21+$0x0] =	vst.idx.add.s32.msk $0xffff, v3  }
0x70: {  	[hbm4b:s4+s18] =	stream.strided.scatter [tilespmem:s21], [sflag:$0x1], $0xC800, s19, s18, $0x38;
	[tilespmem:$0x1D000] =	vst v63  }
0x71: {  	[tilespmem:s26+$0xFFFFFFC0] =	vst v0  }
0x72: {  	[tilespmem:s26+$0x30] =	vst v0  }
0x73: {  	[tilespmem:s26+$0x20] =	vst v0  }
0x74: {  	[tilespmem:s26+$0x10] =	vst v0  }
0x75: {  	[tilespmem:s26+$0x0] =	vst v0  }
0x76: {  	[tilespmem:s26+$0xFFFFFFF0] =	vst v0  }
0x77: {  	s28 =	simm.s32 $0x0;
	[tilespmem:s26+$0xFFFFFFE0] =	vst v0  }
.LBB2_6:
0x78: {  	s28 =	sadd.s32 $0x80, s28;
	[tilespmem:s26+$0xFFFFFFD0] =	vst v0;
	s26 =	sadd.s32 $0x80, s26  }
0x79: {  	[tilespmem:s26+$0xFFFFFFC0] =	vst v0;
	p1 =	slt.u32 s28, $0xC780  }
0x7a: {  	[tilespmem:s26+$0x30] =	vst v0  }
.Ltmp4:
0x7b: {  	[tilespmem:s26+$0x20] =	vst v0;
	(pc) =	sbr.rel @p1 .LBB2_6-.Ltmp4, $4  }
0x7c: {  	[tilespmem:s26+$0x10] =	vst v0  }
0x7d: {  	[tilespmem:s26+$0x0] =	vst v0  }
0x7e: {  	[tilespmem:s26+$0xFFFFFFF0] =	vst v0  }
0x7f: {  	[tilespmem:s26+$0xFFFFFFE0] =	vst v0  }
0x80: {  	[tilespmem:s26+$0xFFFFFFD0] =	vst v0  }
0x81: {  	[tilespmem:s2], [sflag:$0x3] =	stream.strided.gather [hbm4b:s5+s18], $0x4000, s19, s18, $0x38;
	[tilespmem:$0x1D000] =	vst v63  }
0x82: {  	_ =	swait.ge [sflag:s20], $0x4000  }
0x83: {  	[sflag:s20] =	ssyncset.done $0x0  }
0x84: {  	s31 =	simm.s32 $0x40;
	[sflag:s20] =	ssyncadd.s32 $0xFFFFC000  }
0x85: {  	v2 =	vld [tilespmem:s31+$0x30]  }
0x86: {  	v3 =	vld [tilespmem:s31+$0xFFFFFFD0]  }
0x87: {  	v4 =	vld [tilespmem:s31+$0xFFFFFFE0]  }
0x88: {  	v5 =	vld [tilespmem:s31+$0xFFFFFFF0]  }
0x89: {  	v6 =	vld [tilespmem:s31+$0x0]  }
0x8a: {  	v7 =	vld [tilespmem:s31+$0x10]  }
0x8b: {  	v8 =	vld [tilespmem:s31+$0x20]  }
0x8c: {  	v10 =	vld [tilespmem:s31+$0xFFFFFFC0];
	_ =	sdelay $0x1  }
0x8d: {  	vm2 =	vgt.s32 v2, $0xC7FF;
	vm3 =	vgt.s32 v3, $0xC7FF;
	vm4 =	vgt.s32 v4, $0xC7FF  }
0x8e: {  	vm5 =	vgt.s32 v5, $0xC7FF;
	vm6 =	vgt.s32 v6, $0xC7FF;
	vm0 =	vgt.s32 v7, $0xC7FF  }
0x8f: {  	vm1 =	vgt.s32 v8, $0xC7FF;
	v9 =	vsel vm2, $0xFFFF3800, v0;
	v11 =	vsel vm3, $0xFFFF3800, v0  }
0x90: {  	v12 =	vsel vm2, $0x10000, v1;
	vm2 =	vgt.s32 v10, $0xC7FF;
	v9 =	vadd.s32 v2, v9  }
0x91: {  	v13 =	vsel vm1, $0xFFFF3800, v0;
	v11 =	vadd.s32 v3, v11;
	v2 =	vsel vm4, $0xFFFF3800, v0  }
0x92: {  	v3 =	vsel vm5, $0xFFFF3800, v0;
	v2 =	vadd.s32 v4, v2;
	v4 =	vsel vm6, $0xFFFF3800, v0  }
0x93: {  	v3 =	vadd.s32 v5, v3;
	v5 =	vsel vm0, $0xFFFF3800, v0;
	v6 =	vadd.s32 v6, v4  }
0x94: {  	v4 =	vadd.s32 v7, v5;
	v7 =	vsel vm2, $0xFFFF3800, v0;
	v5 =	vadd.s32 v8, v13  }
0x95: {  	v8 =	vadd.s32 v10, v7;
	v7 =	vsel vm3, $0x10000, v1;
	v10 =	vsel vm5, $0x10000, v1;
	[tilespmem:v9+s22+$0x0] =	vst.idx.add.s32.msk $0xffff, v12  }
0x96: {  	s26 =	simm.s32 $0x0;
	s28 =	simm.s32 $0xC0;
	v9 =	vsel vm2, $0x10000, v1;
	[tilespmem:v11+s22+$0x0] =	vst.idx.add.s32.msk $0xffff, v7;
	v11 =	vsel vm4, $0x10000, v1;
	v7 =	vsel vm6, $0x10000, v1  }
.LBB2_8:
0x97: {  	v12 =	vld [tilespmem:s28+$0x30];
	s26 =	sadd.s32 $0x80, s26;
	v13 =	vsel vm0, $0x10000, v1;
	v14 =	vsel vm1, $0x10000, v1  }
0x98: {  	v15 =	vld [tilespmem:s28+$0xFFFFFFD0];
	p1 =	slt.u32 s26, $0x3F80  }
0x99: {  	v16 =	vld [tilespmem:s28+$0xFFFFFFE0]  }
0x9a: {  	v17 =	vld [tilespmem:s28+$0xFFFFFFF0]  }
0x9b: {  	v18 =	vld [tilespmem:s28+$0x0]  }
0x9c: {  	v19 =	vld [tilespmem:s28+$0x10];
	vm6 =	vgt.s32 v12, $0xC7FF  }
0x9d: {  	vm2 =	vgt.s32 v15, $0xC7FF;
	v20 =	vld [tilespmem:s28+$0x20];
	v21 =	vsel vm6, $0xFFFF3800, v0  }
0x9e: {  	v22 =	vld [tilespmem:s28+$0xFFFFFFC0];
	v23 =	vsel vm2, $0xFFFF3800, v0;
	vm3 =	vgt.s32 v16, $0xC7FF;
	v12 =	vadd.s32 v12, v21  }
0x9f: {  	v15 =	vadd.s32 v15, v23;
	v21 =	vsel vm3, $0xFFFF3800, v0;
	vm4 =	vgt.s32 v17, $0xC7FF;
	[tilespmem:v8+s22+$0x0] =	vst.idx.add.s32.msk $0xffff, v9  }
0xa0: {  	v8 =	vsel vm4, $0xFFFF3800, v0;
	vm5 =	vgt.s32 v18, $0xC7FF;
	[tilespmem:v2+s22+$0x0] =	vst.idx.add.s32.msk $0xffff, v11;
	v2 =	vadd.s32 v16, v21  }
0xa1: {  	v9 =	vsel vm5, $0xFFFF3800, v0;
	vm0 =	vgt.s32 v19, $0xC7FF;
	[tilespmem:v3+s22+$0x0] =	vst.idx.add.s32.msk $0xffff, v10;
	v3 =	vadd.s32 v17, v8  }
.Ltmp5:
0xa2: {  	v10 =	vsel vm6, $0x10000, v1;
	v8 =	vsel vm0, $0xFFFF3800, v0;
	vm1 =	vgt.s32 v20, $0xC7FF;
	[tilespmem:v6+s22+$0x0] =	vst.idx.add.s32.msk $0xffff, v7;
	(pc) =	sbr.rel @p1 .LBB2_8-.Ltmp5, $4  }
0xa3: {  	v6 =	vadd.s32 v18, v9;
	vm6 =	vgt.s32 v22, $0xC7FF;
	v7 =	vsel vm1, $0xFFFF3800, v0;
	[tilespmem:v12+s22+$0x0] =	vst.idx.add.s32.msk $0xffff, v10  }
0xa4: {  	v9 =	vsel vm6, $0xFFFF3800, v0;
	v7 =	vadd.s32 v20, v7;
	[tilespmem:v4+s22+$0x0] =	vst.idx.add.s32.msk $0xffff, v13;
	v4 =	vadd.s32 v19, v8  }
0xa5: {  	v10 =	vsel vm2, $0x10000, v1;
	v8 =	vadd.s32 v22, v9;
	v9 =	vsel vm6, $0x10000, v1;
	[tilespmem:v5+s22+$0x0] =	vst.idx.add.s32.msk $0xffff, v14;
	v5 =	vmovc v7  }
0xa6: {  	s28 =	sadd.s32 $0x80, s28;
	v11 =	vsel vm3, $0x10000, v1;
	v7 =	vsel vm5, $0x10000, v1;
	[tilespmem:v15+s22+$0x0] =	vst.idx.add.s32.msk $0xffff, v10;
	v10 =	vsel vm4, $0x10000, v1  }
0xa7: {  	_ =	sdelay $0x3  }
0xa8: {  	[tilespmem:v8+s22+$0x0] =	vst.idx.add.s32.msk $0xffff, v9  }
0xa9: {  	[tilespmem:v2+s22+$0x0] =	vst.idx.add.s32.msk $0xffff, v11  }
0xaa: {  	[tilespmem:v3+s22+$0x0] =	vst.idx.add.s32.msk $0xffff, v10  }
0xab: {  	v2 =	vsel vm0, $0x10000, v1;
	[tilespmem:v6+s22+$0x0] =	vst.idx.add.s32.msk $0xffff, v7  }
0xac: {  	v3 =	vsel vm1, $0x10000, v1;
	[tilespmem:v4+s22+$0x0] =	vst.idx.add.s32.msk $0xffff, v2  }
0xad: {  	[tilespmem:v5+s22+$0x0] =	vst.idx.add.s32.msk $0xffff, v3  }
0xae: {  	[hbm4b:s6+s18] =	stream.strided.scatter [tilespmem:s22], [sflag:$0x2], $0xC800, s19, s18, $0x38;
	[tilespmem:$0x1D000] =	vst v63  }
0xaf: {  	_ =	swait.ge [sflag:s23], $0xC800  }
0xb0: {  	[sflag:s23] =	ssyncset.done $0x0  }
0xb1: {  	s26 =	simm.s32 $0x4040;
	[sflag:s23] =	ssyncadd.s32 $0xFFFF3800  }
0xb2: {  	[tilespmem:s26+$0xFFFFFFC0] =	vst v0  }
0xb3: {  	[tilespmem:s26+$0x30] =	vst v0  }
0xb4: {  	[tilespmem:s26+$0x20] =	vst v0  }
0xb5: {  	[tilespmem:s26+$0x10] =	vst v0  }
0xb6: {  	[tilespmem:s26+$0x0] =	vst v0  }
0xb7: {  	[tilespmem:s26+$0xFFFFFFF0] =	vst v0  }
0xb8: {  	s28 =	simm.s32 $0x0;
	[tilespmem:s26+$0xFFFFFFE0] =	vst v0  }
.LBB2_10:
0xb9: {  	s28 =	sadd.s32 $0x80, s28;
	[tilespmem:s26+$0xFFFFFFD0] =	vst v0;
	s26 =	sadd.s32 $0x80, s26  }
0xba: {  	[tilespmem:s26+$0xFFFFFFC0] =	vst v0;
	p1 =	slt.u32 s28, $0xC780  }
0xbb: {  	[tilespmem:s26+$0x30] =	vst v0  }
.Ltmp6:
0xbc: {  	[tilespmem:s26+$0x20] =	vst v0;
	(pc) =	sbr.rel @p1 .LBB2_10-.Ltmp6, $4  }
0xbd: {  	[tilespmem:s26+$0x10] =	vst v0  }
0xbe: {  	[tilespmem:s26+$0x0] =	vst v0  }
0xbf: {  	[tilespmem:s26+$0xFFFFFFF0] =	vst v0  }
0xc0: {  	[tilespmem:s26+$0xFFFFFFE0] =	vst v0  }
0xc1: {  	[tilespmem:s26+$0xFFFFFFD0] =	vst v0  }
0xc2: {  	[tilespmem:s2], [sflag:$0x3] =	stream.strided.gather [hbm4b:s7+s18], $0x4000, s19, s18, $0x38;
	[tilespmem:$0x1D000] =	vst v63  }
0xc3: {  	_ =	swait.ge [sflag:s20], $0x4000  }
0xc4: {  	[sflag:s20] =	ssyncset.done $0x0  }
0xc5: {  	s31 =	simm.s32 $0x40;
	[sflag:s20] =	ssyncadd.s32 $0xFFFFC000  }
0xc6: {  	v2 =	vld [tilespmem:s31+$0x30]  }
0xc7: {  	v3 =	vld [tilespmem:s31+$0xFFFFFFD0]  }
0xc8: {  	v4 =	vld [tilespmem:s31+$0xFFFFFFE0]  }
0xc9: {  	v5 =	vld [tilespmem:s31+$0xFFFFFFF0]  }
0xca: {  	v6 =	vld [tilespmem:s31+$0x0]  }
0xcb: {  	v7 =	vld [tilespmem:s31+$0x10]  }
0xcc: {  	v8 =	vld [tilespmem:s31+$0x20]  }
0xcd: {  	v10 =	vld [tilespmem:s31+$0xFFFFFFC0];
	_ =	sdelay $0x1  }
0xce: {  	vm2 =	vgt.s32 v2, $0xC7FF;
	vm3 =	vgt.s32 v3, $0xC7FF;
	vm4 =	vgt.s32 v4, $0xC7FF  }
0xcf: {  	vm5 =	vgt.s32 v5, $0xC7FF;
	vm6 =	vgt.s32 v6, $0xC7FF;
	vm0 =	vgt.s32 v7, $0xC7FF  }
0xd0: {  	vm1 =	vgt.s32 v8, $0xC7FF;
	v9 =	vsel vm2, $0xFFFF3800, v0;
	v11 =	vsel vm3, $0xFFFF3800, v0  }
0xd1: {  	v12 =	vsel vm2, $0x10000, v1;
	vm2 =	vgt.s32 v10, $0xC7FF;
	v9 =	vadd.s32 v2, v9  }
0xd2: {  	v13 =	vsel vm1, $0xFFFF3800, v0;
	v11 =	vadd.s32 v3, v11;
	v2 =	vsel vm4, $0xFFFF3800, v0  }
0xd3: {  	v3 =	vsel vm5, $0xFFFF3800, v0;
	v2 =	vadd.s32 v4, v2;
	v4 =	vsel vm6, $0xFFFF3800, v0  }
0xd4: {  	v3 =	vadd.s32 v5, v3;
	v5 =	vsel vm0, $0xFFFF3800, v0;
	v6 =	vadd.s32 v6, v4  }
0xd5: {  	v4 =	vadd.s32 v7, v5;
	v7 =	vsel vm2, $0xFFFF3800, v0;
	v5 =	vadd.s32 v8, v13  }
0xd6: {  	v8 =	vadd.s32 v10, v7;
	v7 =	vsel vm3, $0x10000, v1;
	v10 =	vsel vm5, $0x10000, v1;
	[tilespmem:v9+s21+$0x0] =	vst.idx.add.s32.msk $0xffff, v12  }
0xd7: {  	s26 =	simm.s32 $0x0;
	s28 =	simm.s32 $0xC0;
	v9 =	vsel vm2, $0x10000, v1;
	[tilespmem:v11+s21+$0x0] =	vst.idx.add.s32.msk $0xffff, v7;
	v11 =	vsel vm4, $0x10000, v1;
	v7 =	vsel vm6, $0x10000, v1  }
.LBB2_12:
0xd8: {  	v12 =	vld [tilespmem:s28+$0x30];
	s26 =	sadd.s32 $0x80, s26;
	v13 =	vsel vm0, $0x10000, v1;
	v14 =	vsel vm1, $0x10000, v1  }
0xd9: {  	v15 =	vld [tilespmem:s28+$0xFFFFFFD0];
	p1 =	slt.u32 s26, $0x3F80  }
0xda: {  	v16 =	vld [tilespmem:s28+$0xFFFFFFE0]  }
0xdb: {  	v17 =	vld [tilespmem:s28+$0xFFFFFFF0]  }
0xdc: {  	v18 =	vld [tilespmem:s28+$0x0]  }
0xdd: {  	v19 =	vld [tilespmem:s28+$0x10];
	vm6 =	vgt.s32 v12, $0xC7FF  }
0xde: {  	vm2 =	vgt.s32 v15, $0xC7FF;
	v20 =	vld [tilespmem:s28+$0x20];
	v21 =	vsel vm6, $0xFFFF3800, v0  }
0xdf: {  	v22 =	vld [tilespmem:s28+$0xFFFFFFC0];
	v23 =	vsel vm2, $0xFFFF3800, v0;
	vm3 =	vgt.s32 v16, $0xC7FF;
	v12 =	vadd.s32 v12, v21  }
0xe0: {  	v15 =	vadd.s32 v15, v23;
	v21 =	vsel vm3, $0xFFFF3800, v0;
	vm4 =	vgt.s32 v17, $0xC7FF;
	[tilespmem:v8+s21+$0x0] =	vst.idx.add.s32.msk $0xffff, v9  }
0xe1: {  	v8 =	vsel vm4, $0xFFFF3800, v0;
	vm5 =	vgt.s32 v18, $0xC7FF;
	[tilespmem:v2+s21+$0x0] =	vst.idx.add.s32.msk $0xffff, v11;
	v2 =	vadd.s32 v16, v21  }
0xe2: {  	v9 =	vsel vm5, $0xFFFF3800, v0;
	vm0 =	vgt.s32 v19, $0xC7FF;
	[tilespmem:v3+s21+$0x0] =	vst.idx.add.s32.msk $0xffff, v10;
	v3 =	vadd.s32 v17, v8  }
.Ltmp7:
0xe3: {  	v10 =	vsel vm6, $0x10000, v1;
	v8 =	vsel vm0, $0xFFFF3800, v0;
	vm1 =	vgt.s32 v20, $0xC7FF;
	[tilespmem:v6+s21+$0x0] =	vst.idx.add.s32.msk $0xffff, v7;
	(pc) =	sbr.rel @p1 .LBB2_12-.Ltmp7, $4  }
0xe4: {  	v6 =	vadd.s32 v18, v9;
	vm6 =	vgt.s32 v22, $0xC7FF;
	v7 =	vsel vm1, $0xFFFF3800, v0;
	[tilespmem:v12+s21+$0x0] =	vst.idx.add.s32.msk $0xffff, v10  }
0xe5: {  	v9 =	vsel vm6, $0xFFFF3800, v0;
	v7 =	vadd.s32 v20, v7;
	[tilespmem:v4+s21+$0x0] =	vst.idx.add.s32.msk $0xffff, v13;
	v4 =	vadd.s32 v19, v8  }
0xe6: {  	v10 =	vsel vm2, $0x10000, v1;
	v8 =	vadd.s32 v22, v9;
	v9 =	vsel vm6, $0x10000, v1;
	[tilespmem:v5+s21+$0x0] =	vst.idx.add.s32.msk $0xffff, v14;
	v5 =	vmovc v7  }
0xe7: {  	s28 =	sadd.s32 $0x80, s28;
	v11 =	vsel vm3, $0x10000, v1;
	v7 =	vsel vm5, $0x10000, v1;
	[tilespmem:v15+s21+$0x0] =	vst.idx.add.s32.msk $0xffff, v10;
	v10 =	vsel vm4, $0x10000, v1  }
0xe8: {  	_ =	sdelay $0x3  }
0xe9: {  	[tilespmem:v8+s21+$0x0] =	vst.idx.add.s32.msk $0xffff, v9  }
0xea: {  	[tilespmem:v2+s21+$0x0] =	vst.idx.add.s32.msk $0xffff, v11  }
0xeb: {  	[tilespmem:v3+s21+$0x0] =	vst.idx.add.s32.msk $0xffff, v10  }
0xec: {  	v2 =	vsel vm0, $0x10000, v1;
	[tilespmem:v6+s21+$0x0] =	vst.idx.add.s32.msk $0xffff, v7  }
0xed: {  	v3 =	vsel vm1, $0x10000, v1;
	[tilespmem:v4+s21+$0x0] =	vst.idx.add.s32.msk $0xffff, v2  }
0xee: {  	[tilespmem:v5+s21+$0x0] =	vst.idx.add.s32.msk $0xffff, v3  }
0xef: {  	[hbm4b:s8+s18] =	stream.strided.scatter [tilespmem:s21], [sflag:$0x1], $0xC800, s19, s18, $0x38;
	[tilespmem:$0x1D000] =	vst v63  }
0xf0: {  	_ =	swait.ge [sflag:s24], $0xC800  }
0xf1: {  	[sflag:s24] =	ssyncset.done $0x0  }
0xf2: {  	s26 =	simm.s32 $0x10840;
	[sflag:s24] =	ssyncadd.s32 $0xFFFF3800  }
0xf3: {  	[tilespmem:s26+$0xFFFFFFC0] =	vst v0  }
0xf4: {  	[tilespmem:s26+$0x30] =	vst v0  }
0xf5: {  	[tilespmem:s26+$0x20] =	vst v0  }
0xf6: {  	[tilespmem:s26+$0x10] =	vst v0  }
0xf7: {  	[tilespmem:s26+$0x0] =	vst v0  }
0xf8: {  	[tilespmem:s26+$0xFFFFFFF0] =	vst v0  }
0xf9: {  	s28 =	simm.s32 $0x0;
	[tilespmem:s26+$0xFFFFFFE0] =	vst v0  }
.LBB2_14:
0xfa: {  	s28 =	sadd.s32 $0x80, s28;
	[tilespmem:s26+$0xFFFFFFD0] =	vst v0;
	s26 =	sadd.s32 $0x80, s26  }
0xfb: {  	[tilespmem:s26+$0xFFFFFFC0] =	vst v0;
	p1 =	slt.u32 s28, $0xC780  }
0xfc: {  	[tilespmem:s26+$0x30] =	vst v0  }
.Ltmp8:
0xfd: {  	[tilespmem:s26+$0x20] =	vst v0;
	(pc) =	sbr.rel @p1 .LBB2_14-.Ltmp8, $4  }
0xfe: {  	[tilespmem:s26+$0x10] =	vst v0  }
0xff: {  	[tilespmem:s26+$0x0] =	vst v0  }
0x100: {  	[tilespmem:s26+$0xFFFFFFF0] =	vst v0  }
0x101: {  	[tilespmem:s26+$0xFFFFFFE0] =	vst v0  }
0x102: {  	[tilespmem:s26+$0xFFFFFFD0] =	vst v0  }
0x103: {  	[tilespmem:s2], [sflag:$0x3] =	stream.strided.gather [hbm4b:s9+s18], $0x4000, s19, s18, $0x38;
	[tilespmem:$0x1D000] =	vst v63  }
0x104: {  	_ =	swait.ge [sflag:s20], $0x4000  }
0x105: {  	[sflag:s20] =	ssyncset.done $0x0  }
0x106: {  	s31 =	simm.s32 $0x40;
	[sflag:s20] =	ssyncadd.s32 $0xFFFFC000  }
0x107: {  	v2 =	vld [tilespmem:s31+$0x30]  }
0x108: {  	v3 =	vld [tilespmem:s31+$0xFFFFFFD0]  }
0x109: {  	v4 =	vld [tilespmem:s31+$0xFFFFFFE0]  }
0x10a: {  	v5 =	vld [tilespmem:s31+$0xFFFFFFF0]  }
0x10b: {  	v6 =	vld [tilespmem:s31+$0x0]  }
0x10c: {  	v7 =	vld [tilespmem:s31+$0x10]  }
0x10d: {  	v8 =	vld [tilespmem:s31+$0x20]  }
0x10e: {  	v10 =	vld [tilespmem:s31+$0xFFFFFFC0];
	_ =	sdelay $0x1  }
0x10f: {  	vm2 =	vgt.s32 v2, $0xC7FF;
	vm3 =	vgt.s32 v3, $0xC7FF;
	vm4 =	vgt.s32 v4, $0xC7FF  }
0x110: {  	vm5 =	vgt.s32 v5, $0xC7FF;
	vm6 =	vgt.s32 v6, $0xC7FF;
	vm0 =	vgt.s32 v7, $0xC7FF  }
0x111: {  	vm1 =	vgt.s32 v8, $0xC7FF;
	v9 =	vsel vm2, $0xFFFF3800, v0;
	v11 =	vsel vm3, $0xFFFF3800, v0  }
0x112: {  	v12 =	vsel vm2, $0x10000, v1;
	vm2 =	vgt.s32 v10, $0xC7FF;
	v9 =	vadd.s32 v2, v9  }
0x113: {  	v13 =	vsel vm1, $0xFFFF3800, v0;
	v11 =	vadd.s32 v3, v11;
	v2 =	vsel vm4, $0xFFFF3800, v0  }
0x114: {  	v3 =	vsel vm5, $0xFFFF3800, v0;
	v2 =	vadd.s32 v4, v2;
	v4 =	vsel vm6, $0xFFFF3800, v0  }
0x115: {  	v3 =	vadd.s32 v5, v3;
	v5 =	vsel vm0, $0xFFFF3800, v0;
	v6 =	vadd.s32 v6, v4  }
0x116: {  	v4 =	vadd.s32 v7, v5;
	v7 =	vsel vm2, $0xFFFF3800, v0;
	v5 =	vadd.s32 v8, v13  }
0x117: {  	v8 =	vadd.s32 v10, v7;
	v7 =	vsel vm3, $0x10000, v1;
	v10 =	vsel vm5, $0x10000, v1;
	[tilespmem:v9+s22+$0x0] =	vst.idx.add.s32.msk $0xffff, v12  }
0x118: {  	s26 =	simm.s32 $0x0;
	s28 =	simm.s32 $0xC0;
	v9 =	vsel vm2, $0x10000, v1;
	[tilespmem:v11+s22+$0x0] =	vst.idx.add.s32.msk $0xffff, v7;
	v11 =	vsel vm4, $0x10000, v1;
	v7 =	vsel vm6, $0x10000, v1  }
.LBB2_16:
0x119: {  	v12 =	vld [tilespmem:s28+$0x30];
	s26 =	sadd.s32 $0x80, s26;
	v13 =	vsel vm0, $0x10000, v1;
	v14 =	vsel vm1, $0x10000, v1  }
0x11a: {  	v15 =	vld [tilespmem:s28+$0xFFFFFFD0];
	p1 =	slt.u32 s26, $0x3F80  }
0x11b: {  	v16 =	vld [tilespmem:s28+$0xFFFFFFE0]  }
0x11c: {  	v17 =	vld [tilespmem:s28+$0xFFFFFFF0]  }
0x11d: {  	v18 =	vld [tilespmem:s28+$0x0]  }
0x11e: {  	v19 =	vld [tilespmem:s28+$0x10];
	vm6 =	vgt.s32 v12, $0xC7FF  }
0x11f: {  	vm2 =	vgt.s32 v15, $0xC7FF;
	v20 =	vld [tilespmem:s28+$0x20];
	v21 =	vsel vm6, $0xFFFF3800, v0  }
0x120: {  	v22 =	vld [tilespmem:s28+$0xFFFFFFC0];
	v23 =	vsel vm2, $0xFFFF3800, v0;
	vm3 =	vgt.s32 v16, $0xC7FF;
	v12 =	vadd.s32 v12, v21  }
0x121: {  	v15 =	vadd.s32 v15, v23;
	v21 =	vsel vm3, $0xFFFF3800, v0;
	vm4 =	vgt.s32 v17, $0xC7FF;
	[tilespmem:v8+s22+$0x0] =	vst.idx.add.s32.msk $0xffff, v9  }
0x122: {  	v8 =	vsel vm4, $0xFFFF3800, v0;
	vm5 =	vgt.s32 v18, $0xC7FF;
	[tilespmem:v2+s22+$0x0] =	vst.idx.add.s32.msk $0xffff, v11;
	v2 =	vadd.s32 v16, v21  }
0x123: {  	v9 =	vsel vm5, $0xFFFF3800, v0;
	vm0 =	vgt.s32 v19, $0xC7FF;
	[tilespmem:v3+s22+$0x0] =	vst.idx.add.s32.msk $0xffff, v10;
	v3 =	vadd.s32 v17, v8  }
.Ltmp9:
0x124: {  	v10 =	vsel vm6, $0x10000, v1;
	v8 =	vsel vm0, $0xFFFF3800, v0;
	vm1 =	vgt.s32 v20, $0xC7FF;
	[tilespmem:v6+s22+$0x0] =	vst.idx.add.s32.msk $0xffff, v7;
	(pc) =	sbr.rel @p1 .LBB2_16-.Ltmp9, $4  }
0x125: {  	v6 =	vadd.s32 v18, v9;
	vm6 =	vgt.s32 v22, $0xC7FF;
	v7 =	vsel vm1, $0xFFFF3800, v0;
	[tilespmem:v12+s22+$0x0] =	vst.idx.add.s32.msk $0xffff, v10  }
0x126: {  	v9 =	vsel vm6, $0xFFFF3800, v0;
	v7 =	vadd.s32 v20, v7;
	[tilespmem:v4+s22+$0x0] =	vst.idx.add.s32.msk $0xffff, v13;
	v4 =	vadd.s32 v19, v8  }
0x127: {  	v10 =	vsel vm2, $0x10000, v1;
	v8 =	vadd.s32 v22, v9;
	v9 =	vsel vm6, $0x10000, v1;
	[tilespmem:v5+s22+$0x0] =	vst.idx.add.s32.msk $0xffff, v14;
	v5 =	vmovc v7  }
0x128: {  	s28 =	sadd.s32 $0x80, s28;
	v11 =	vsel vm3, $0x10000, v1;
	v7 =	vsel vm5, $0x10000, v1;
	[tilespmem:v15+s22+$0x0] =	vst.idx.add.s32.msk $0xffff, v10;
	v10 =	vsel vm4, $0x10000, v1  }
0x129: {  	_ =	sdelay $0x3  }
0x12a: {  	[tilespmem:v8+s22+$0x0] =	vst.idx.add.s32.msk $0xffff, v9  }
0x12b: {  	[tilespmem:v2+s22+$0x0] =	vst.idx.add.s32.msk $0xffff, v11  }
0x12c: {  	[tilespmem:v3+s22+$0x0] =	vst.idx.add.s32.msk $0xffff, v10  }
0x12d: {  	v2 =	vsel vm0, $0x10000, v1;
	[tilespmem:v6+s22+$0x0] =	vst.idx.add.s32.msk $0xffff, v7  }
0x12e: {  	v3 =	vsel vm1, $0x10000, v1;
	[tilespmem:v4+s22+$0x0] =	vst.idx.add.s32.msk $0xffff, v2  }
0x12f: {  	[tilespmem:v5+s22+$0x0] =	vst.idx.add.s32.msk $0xffff, v3  }
0x130: {  	[hbm4b:s10+s18] =	stream.strided.scatter [tilespmem:s22], [sflag:$0x2], $0xC800, s19, s18, $0x38;
	[tilespmem:$0x1D000] =	vst v63  }
0x131: {  	_ =	swait.ge [sflag:s23], $0xC800  }
0x132: {  	[sflag:s23] =	ssyncset.done $0x0  }
0x133: {  	s26 =	simm.s32 $0x4040;
	[sflag:s23] =	ssyncadd.s32 $0xFFFF3800  }
0x134: {  	[tilespmem:s26+$0xFFFFFFC0] =	vst v0  }
0x135: {  	[tilespmem:s26+$0x30] =	vst v0  }
0x136: {  	[tilespmem:s26+$0x20] =	vst v0  }
0x137: {  	[tilespmem:s26+$0x10] =	vst v0  }
0x138: {  	[tilespmem:s26+$0x0] =	vst v0  }
0x139: {  	[tilespmem:s26+$0xFFFFFFF0] =	vst v0  }
0x13a: {  	s28 =	simm.s32 $0x0;
	[tilespmem:s26+$0xFFFFFFE0] =	vst v0  }
.LBB2_18:
0x13b: {  	s28 =	sadd.s32 $0x80, s28;
	[tilespmem:s26+$0xFFFFFFD0] =	vst v0;
	s26 =	sadd.s32 $0x80, s26  }
0x13c: {  	[tilespmem:s26+$0xFFFFFFC0] =	vst v0;
	p1 =	slt.u32 s28, $0xC780  }
0x13d: {  	[tilespmem:s26+$0x30] =	vst v0  }
.Ltmp10:
0x13e: {  	[tilespmem:s26+$0x20] =	vst v0;
	(pc) =	sbr.rel @p1 .LBB2_18-.Ltmp10, $4  }
0x13f: {  	[tilespmem:s26+$0x10] =	vst v0  }
0x140: {  	[tilespmem:s26+$0x0] =	vst v0  }
0x141: {  	[tilespmem:s26+$0xFFFFFFF0] =	vst v0  }
0x142: {  	[tilespmem:s26+$0xFFFFFFE0] =	vst v0  }
0x143: {  	[tilespmem:s26+$0xFFFFFFD0] =	vst v0  }
0x144: {  	[tilespmem:s2], [sflag:$0x3] =	stream.strided.gather [hbm4b:s11+s18], $0x4000, s19, s18, $0x38;
	[tilespmem:$0x1D000] =	vst v63  }
0x145: {  	_ =	swait.ge [sflag:s20], $0x4000  }
0x146: {  	[sflag:s20] =	ssyncset.done $0x0  }
0x147: {  	s31 =	simm.s32 $0x40;
	[sflag:s20] =	ssyncadd.s32 $0xFFFFC000  }
0x148: {  	v2 =	vld [tilespmem:s31+$0x30]  }
0x149: {  	v3 =	vld [tilespmem:s31+$0xFFFFFFD0]  }
0x14a: {  	v4 =	vld [tilespmem:s31+$0xFFFFFFE0]  }
0x14b: {  	v5 =	vld [tilespmem:s31+$0xFFFFFFF0]  }
0x14c: {  	v6 =	vld [tilespmem:s31+$0x0]  }
0x14d: {  	v7 =	vld [tilespmem:s31+$0x10]  }
0x14e: {  	v8 =	vld [tilespmem:s31+$0x20]  }
0x14f: {  	v10 =	vld [tilespmem:s31+$0xFFFFFFC0];
	_ =	sdelay $0x1  }
0x150: {  	vm2 =	vgt.s32 v2, $0xC7FF;
	vm3 =	vgt.s32 v3, $0xC7FF;
	vm4 =	vgt.s32 v4, $0xC7FF  }
0x151: {  	vm5 =	vgt.s32 v5, $0xC7FF;
	vm6 =	vgt.s32 v6, $0xC7FF;
	vm0 =	vgt.s32 v7, $0xC7FF  }
0x152: {  	vm1 =	vgt.s32 v8, $0xC7FF;
	v9 =	vsel vm2, $0xFFFF3800, v0;
	v11 =	vsel vm3, $0xFFFF3800, v0  }
0x153: {  	v12 =	vsel vm2, $0x10000, v1;
	vm2 =	vgt.s32 v10, $0xC7FF;
	v9 =	vadd.s32 v2, v9  }
0x154: {  	v13 =	vsel vm1, $0xFFFF3800, v0;
	v11 =	vadd.s32 v3, v11;
	v2 =	vsel vm4, $0xFFFF3800, v0  }
0x155: {  	v3 =	vsel vm5, $0xFFFF3800, v0;
	v2 =	vadd.s32 v4, v2;
	v4 =	vsel vm6, $0xFFFF3800, v0  }
0x156: {  	v3 =	vadd.s32 v5, v3;
	v5 =	vsel vm0, $0xFFFF3800, v0;
	v6 =	vadd.s32 v6, v4  }
0x157: {  	v4 =	vadd.s32 v7, v5;
	v7 =	vsel vm2, $0xFFFF3800, v0;
	v5 =	vadd.s32 v8, v13  }
0x158: {  	v8 =	vadd.s32 v10, v7;
	v7 =	vsel vm3, $0x10000, v1;
	v10 =	vsel vm5, $0x10000, v1;
	[tilespmem:v9+s21+$0x0] =	vst.idx.add.s32.msk $0xffff, v12  }
0x159: {  	s26 =	simm.s32 $0x0;
	s28 =	simm.s32 $0xC0;
	v9 =	vsel vm2, $0x10000, v1;
	[tilespmem:v11+s21+$0x0] =	vst.idx.add.s32.msk $0xffff, v7;
	v11 =	vsel vm4, $0x10000, v1;
	v7 =	vsel vm6, $0x10000, v1  }
.LBB2_20:
0x15a: {  	v12 =	vld [tilespmem:s28+$0x30];
	s26 =	sadd.s32 $0x80, s26;
	v13 =	vsel vm0, $0x10000, v1;
	v14 =	vsel vm1, $0x10000, v1  }
0x15b: {  	v15 =	vld [tilespmem:s28+$0xFFFFFFD0];
	p1 =	slt.u32 s26, $0x3F80  }
0x15c: {  	v16 =	vld [tilespmem:s28+$0xFFFFFFE0]  }
0x15d: {  	v17 =	vld [tilespmem:s28+$0xFFFFFFF0]  }
0x15e: {  	v18 =	vld [tilespmem:s28+$0x0]  }
0x15f: {  	v19 =	vld [tilespmem:s28+$0x10];
	vm6 =	vgt.s32 v12, $0xC7FF  }
0x160: {  	vm2 =	vgt.s32 v15, $0xC7FF;
	v20 =	vld [tilespmem:s28+$0x20];
	v21 =	vsel vm6, $0xFFFF3800, v0  }
0x161: {  	v22 =	vld [tilespmem:s28+$0xFFFFFFC0];
	v23 =	vsel vm2, $0xFFFF3800, v0;
	vm3 =	vgt.s32 v16, $0xC7FF;
	v12 =	vadd.s32 v12, v21  }
0x162: {  	v15 =	vadd.s32 v15, v23;
	v21 =	vsel vm3, $0xFFFF3800, v0;
	vm4 =	vgt.s32 v17, $0xC7FF;
	[tilespmem:v8+s21+$0x0] =	vst.idx.add.s32.msk $0xffff, v9  }
0x163: {  	v8 =	vsel vm4, $0xFFFF3800, v0;
	vm5 =	vgt.s32 v18, $0xC7FF;
	[tilespmem:v2+s21+$0x0] =	vst.idx.add.s32.msk $0xffff, v11;
	v2 =	vadd.s32 v16, v21  }
0x164: {  	v9 =	vsel vm5, $0xFFFF3800, v0;
	vm0 =	vgt.s32 v19, $0xC7FF;
	[tilespmem:v3+s21+$0x0] =	vst.idx.add.s32.msk $0xffff, v10;
	v3 =	vadd.s32 v17, v8  }
.Ltmp11:
0x165: {  	v10 =	vsel vm6, $0x10000, v1;
	v8 =	vsel vm0, $0xFFFF3800, v0;
	vm1 =	vgt.s32 v20, $0xC7FF;
	[tilespmem:v6+s21+$0x0] =	vst.idx.add.s32.msk $0xffff, v7;
	(pc) =	sbr.rel @p1 .LBB2_20-.Ltmp11, $4  }
0x166: {  	v6 =	vadd.s32 v18, v9;
	vm6 =	vgt.s32 v22, $0xC7FF;
	v7 =	vsel vm1, $0xFFFF3800, v0;
	[tilespmem:v12+s21+$0x0] =	vst.idx.add.s32.msk $0xffff, v10  }
0x167: {  	v9 =	vsel vm6, $0xFFFF3800, v0;
	v7 =	vadd.s32 v20, v7;
	[tilespmem:v4+s21+$0x0] =	vst.idx.add.s32.msk $0xffff, v13;
	v4 =	vadd.s32 v19, v8  }
0x168: {  	v10 =	vsel vm2, $0x10000, v1;
	v8 =	vadd.s32 v22, v9;
	v9 =	vsel vm6, $0x10000, v1;
	[tilespmem:v5+s21+$0x0] =	vst.idx.add.s32.msk $0xffff, v14;
	v5 =	vmovc v7  }
0x169: {  	s28 =	sadd.s32 $0x80, s28;
	v11 =	vsel vm3, $0x10000, v1;
	v7 =	vsel vm5, $0x10000, v1;
	[tilespmem:v15+s21+$0x0] =	vst.idx.add.s32.msk $0xffff, v10;
	v10 =	vsel vm4, $0x10000, v1  }
0x16a: {  	_ =	sdelay $0x3  }
0x16b: {  	[tilespmem:v8+s21+$0x0] =	vst.idx.add.s32.msk $0xffff, v9  }
0x16c: {  	[tilespmem:v2+s21+$0x0] =	vst.idx.add.s32.msk $0xffff, v11  }
0x16d: {  	[tilespmem:v3+s21+$0x0] =	vst.idx.add.s32.msk $0xffff, v10  }
0x16e: {  	v2 =	vsel vm0, $0x10000, v1;
	[tilespmem:v6+s21+$0x0] =	vst.idx.add.s32.msk $0xffff, v7  }
0x16f: {  	v3 =	vsel vm1, $0x10000, v1;
	[tilespmem:v4+s21+$0x0] =	vst.idx.add.s32.msk $0xffff, v2  }
0x170: {  	[tilespmem:v5+s21+$0x0] =	vst.idx.add.s32.msk $0xffff, v3  }
0x171: {  	[hbm4b:s12+s18] =	stream.strided.scatter [tilespmem:s21], [sflag:$0x1], $0xC800, s19, s18, $0x38;
	[tilespmem:$0x1D000] =	vst v63  }
0x172: {  	_ =	swait.ge [sflag:s24], $0xC800  }
0x173: {  	[sflag:s24] =	ssyncset.done $0x0  }
0x174: {  	s26 =	simm.s32 $0x10840;
	[sflag:s24] =	ssyncadd.s32 $0xFFFF3800  }
0x175: {  	[tilespmem:s26+$0xFFFFFFC0] =	vst v0  }
0x176: {  	[tilespmem:s26+$0x30] =	vst v0  }
0x177: {  	[tilespmem:s26+$0x20] =	vst v0  }
0x178: {  	[tilespmem:s26+$0x10] =	vst v0  }
0x179: {  	[tilespmem:s26+$0x0] =	vst v0  }
0x17a: {  	[tilespmem:s26+$0xFFFFFFF0] =	vst v0  }
0x17b: {  	s28 =	simm.s32 $0x0;
	[tilespmem:s26+$0xFFFFFFE0] =	vst v0  }
.LBB2_22:
0x17c: {  	s28 =	sadd.s32 $0x80, s28;
	[tilespmem:s26+$0xFFFFFFD0] =	vst v0;
	s26 =	sadd.s32 $0x80, s26  }
0x17d: {  	[tilespmem:s26+$0xFFFFFFC0] =	vst v0;
	p1 =	slt.u32 s28, $0xC780  }
0x17e: {  	[tilespmem:s26+$0x30] =	vst v0  }
.Ltmp12:
0x17f: {  	[tilespmem:s26+$0x20] =	vst v0;
	(pc) =	sbr.rel @p1 .LBB2_22-.Ltmp12, $4  }
0x180: {  	[tilespmem:s26+$0x10] =	vst v0  }
0x181: {  	[tilespmem:s26+$0x0] =	vst v0  }
0x182: {  	[tilespmem:s26+$0xFFFFFFF0] =	vst v0  }
0x183: {  	[tilespmem:s26+$0xFFFFFFE0] =	vst v0  }
0x184: {  	[tilespmem:s26+$0xFFFFFFD0] =	vst v0  }
0x185: {  	[tilespmem:s2], [sflag:$0x3] =	stream.strided.gather [hbm4b:s13+s18], $0x4000, s19, s18, $0x38;
	[tilespmem:$0x1D000] =	vst v63  }
0x186: {  	_ =	swait.ge [sflag:s20], $0x4000  }
0x187: {  	[sflag:s20] =	ssyncset.done $0x0  }
0x188: {  	s31 =	simm.s32 $0x40;
	[sflag:s20] =	ssyncadd.s32 $0xFFFFC000  }
0x189: {  	v2 =	vld [tilespmem:s31+$0x30]  }
0x18a: {  	v3 =	vld [tilespmem:s31+$0xFFFFFFD0]  }
0x18b: {  	v4 =	vld [tilespmem:s31+$0xFFFFFFE0]  }
0x18c: {  	v5 =	vld [tilespmem:s31+$0xFFFFFFF0]  }
0x18d: {  	v6 =	vld [tilespmem:s31+$0x0]  }
0x18e: {  	v7 =	vld [tilespmem:s31+$0x10]  }
0x18f: {  	v8 =	vld [tilespmem:s31+$0x20]  }
0x190: {  	v10 =	vld [tilespmem:s31+$0xFFFFFFC0];
	_ =	sdelay $0x1  }
0x191: {  	vm2 =	vgt.s32 v2, $0xC7FF;
	vm3 =	vgt.s32 v3, $0xC7FF;
	vm4 =	vgt.s32 v4, $0xC7FF  }
0x192: {  	vm5 =	vgt.s32 v5, $0xC7FF;
	vm6 =	vgt.s32 v6, $0xC7FF;
	vm0 =	vgt.s32 v7, $0xC7FF  }
0x193: {  	vm1 =	vgt.s32 v8, $0xC7FF;
	v9 =	vsel vm2, $0xFFFF3800, v0;
	v11 =	vsel vm3, $0xFFFF3800, v0  }
0x194: {  	v12 =	vsel vm2, $0x10000, v1;
	vm2 =	vgt.s32 v10, $0xC7FF;
	v9 =	vadd.s32 v2, v9  }
0x195: {  	v13 =	vsel vm1, $0xFFFF3800, v0;
	v11 =	vadd.s32 v3, v11;
	v2 =	vsel vm4, $0xFFFF3800, v0  }
0x196: {  	v3 =	vsel vm5, $0xFFFF3800, v0;
	v2 =	vadd.s32 v4, v2;
	v4 =	vsel vm6, $0xFFFF3800, v0  }
0x197: {  	v3 =	vadd.s32 v5, v3;
	v5 =	vsel vm0, $0xFFFF3800, v0;
	v6 =	vadd.s32 v6, v4  }
0x198: {  	v4 =	vadd.s32 v7, v5;
	v7 =	vsel vm2, $0xFFFF3800, v0;
	v5 =	vadd.s32 v8, v13  }
0x199: {  	v8 =	vadd.s32 v10, v7;
	v7 =	vsel vm3, $0x10000, v1;
	v10 =	vsel vm5, $0x10000, v1;
	[tilespmem:v9+s22+$0x0] =	vst.idx.add.s32.msk $0xffff, v12  }
0x19a: {  	s26 =	simm.s32 $0x0;
	s28 =	simm.s32 $0xC0;
	v9 =	vsel vm2, $0x10000, v1;
	[tilespmem:v11+s22+$0x0] =	vst.idx.add.s32.msk $0xffff, v7;
	v11 =	vsel vm4, $0x10000, v1;
	v7 =	vsel vm6, $0x10000, v1  }
.LBB2_24:
0x19b: {  	v12 =	vld [tilespmem:s28+$0x30];
	s26 =	sadd.s32 $0x80, s26;
	v13 =	vsel vm0, $0x10000, v1;
	v14 =	vsel vm1, $0x10000, v1  }
0x19c: {  	v15 =	vld [tilespmem:s28+$0xFFFFFFD0];
	p1 =	slt.u32 s26, $0x3F80  }
0x19d: {  	v16 =	vld [tilespmem:s28+$0xFFFFFFE0]  }
0x19e: {  	v17 =	vld [tilespmem:s28+$0xFFFFFFF0]  }
0x19f: {  	v18 =	vld [tilespmem:s28+$0x0]  }
0x1a0: {  	v19 =	vld [tilespmem:s28+$0x10];
	vm6 =	vgt.s32 v12, $0xC7FF  }
0x1a1: {  	vm2 =	vgt.s32 v15, $0xC7FF;
	v20 =	vld [tilespmem:s28+$0x20];
	v21 =	vsel vm6, $0xFFFF3800, v0  }
0x1a2: {  	v22 =	vld [tilespmem:s28+$0xFFFFFFC0];
	v23 =	vsel vm2, $0xFFFF3800, v0;
	vm3 =	vgt.s32 v16, $0xC7FF;
	v12 =	vadd.s32 v12, v21  }
0x1a3: {  	v15 =	vadd.s32 v15, v23;
	v21 =	vsel vm3, $0xFFFF3800, v0;
	vm4 =	vgt.s32 v17, $0xC7FF;
	[tilespmem:v8+s22+$0x0] =	vst.idx.add.s32.msk $0xffff, v9  }
0x1a4: {  	v8 =	vsel vm4, $0xFFFF3800, v0;
	vm5 =	vgt.s32 v18, $0xC7FF;
	[tilespmem:v2+s22+$0x0] =	vst.idx.add.s32.msk $0xffff, v11;
	v2 =	vadd.s32 v16, v21  }
0x1a5: {  	v9 =	vsel vm5, $0xFFFF3800, v0;
	vm0 =	vgt.s32 v19, $0xC7FF;
	[tilespmem:v3+s22+$0x0] =	vst.idx.add.s32.msk $0xffff, v10;
	v3 =	vadd.s32 v17, v8  }
.Ltmp13:
0x1a6: {  	v10 =	vsel vm6, $0x10000, v1;
	v8 =	vsel vm0, $0xFFFF3800, v0;
	vm1 =	vgt.s32 v20, $0xC7FF;
	[tilespmem:v6+s22+$0x0] =	vst.idx.add.s32.msk $0xffff, v7;
	(pc) =	sbr.rel @p1 .LBB2_24-.Ltmp13, $4  }
0x1a7: {  	v6 =	vadd.s32 v18, v9;
	vm6 =	vgt.s32 v22, $0xC7FF;
	v7 =	vsel vm1, $0xFFFF3800, v0;
	[tilespmem:v12+s22+$0x0] =	vst.idx.add.s32.msk $0xffff, v10  }
0x1a8: {  	v9 =	vsel vm6, $0xFFFF3800, v0;
	v7 =	vadd.s32 v20, v7;
	[tilespmem:v4+s22+$0x0] =	vst.idx.add.s32.msk $0xffff, v13;
	v4 =	vadd.s32 v19, v8  }
0x1a9: {  	v10 =	vsel vm2, $0x10000, v1;
	v8 =	vadd.s32 v22, v9;
	v9 =	vsel vm6, $0x10000, v1;
	[tilespmem:v5+s22+$0x0] =	vst.idx.add.s32.msk $0xffff, v14;
	v5 =	vmovc v7  }
0x1aa: {  	s28 =	sadd.s32 $0x80, s28;
	v11 =	vsel vm3, $0x10000, v1;
	v7 =	vsel vm5, $0x10000, v1;
	[tilespmem:v15+s22+$0x0] =	vst.idx.add.s32.msk $0xffff, v10;
	v10 =	vsel vm4, $0x10000, v1  }
0x1ab: {  	_ =	sdelay $0x3  }
0x1ac: {  	[tilespmem:v8+s22+$0x0] =	vst.idx.add.s32.msk $0xffff, v9  }
0x1ad: {  	[tilespmem:v2+s22+$0x0] =	vst.idx.add.s32.msk $0xffff, v11  }
0x1ae: {  	[tilespmem:v3+s22+$0x0] =	vst.idx.add.s32.msk $0xffff, v10  }
0x1af: {  	v2 =	vsel vm0, $0x10000, v1;
	[tilespmem:v6+s22+$0x0] =	vst.idx.add.s32.msk $0xffff, v7  }
0x1b0: {  	v3 =	vsel vm1, $0x10000, v1;
	[tilespmem:v4+s22+$0x0] =	vst.idx.add.s32.msk $0xffff, v2  }
.Ltmp14:
0x1b1: {  	[tilespmem:v5+s22+$0x0] =	vst.idx.add.s32.msk $0xffff, v3;
	(pc) =	sbr.rel @p0 .LBB2_31-.Ltmp14, $4  }
0x1b2: {  	[hbm4b:s14+s18] =	stream.strided.scatter [tilespmem:s22], [sflag:$0x2], $0xC800, s19, s18, $0x38;
	[tilespmem:$0x1D000] =	vst v63  }
0x1b3: {  	_ =	swait.ge [sflag:s23], $0xC800  }
0x1b4: {  	[sflag:s23] =	ssyncset.done $0x0  }
0x1b5: {  	[sflag:s23] =	ssyncadd.s32 $0xFFFF3800  }
0x1b6: {  	s26 =	simm.s32 $0x4040  }
0x1b7: {  	[tilespmem:s26+$0xFFFFFFC0] =	vst v0  }
0x1b8: {  	[tilespmem:s26+$0x30] =	vst v0  }
0x1b9: {  	[tilespmem:s26+$0x20] =	vst v0  }
0x1ba: {  	[tilespmem:s26+$0x10] =	vst v0  }
0x1bb: {  	[tilespmem:s26+$0x0] =	vst v0  }
0x1bc: {  	[tilespmem:s26+$0xFFFFFFF0] =	vst v0  }
0x1bd: {  	s28 =	simm.s32 $0x0;
	[tilespmem:s26+$0xFFFFFFE0] =	vst v0  }
.LBB2_27:
0x1be: {  	s28 =	sadd.s32 $0x80, s28;
	[tilespmem:s26+$0xFFFFFFD0] =	vst v0;
	s26 =	sadd.s32 $0x80, s26  }
0x1bf: {  	[tilespmem:s26+$0xFFFFFFC0] =	vst v0;
	p1 =	slt.u32 s28, $0xC780  }
0x1c0: {  	[tilespmem:s26+$0x30] =	vst v0  }
.Ltmp15:
0x1c1: {  	[tilespmem:s26+$0x20] =	vst v0;
	(pc) =	sbr.rel @p1 .LBB2_27-.Ltmp15, $4  }
0x1c2: {  	[tilespmem:s26+$0x10] =	vst v0  }
0x1c3: {  	[tilespmem:s26+$0x0] =	vst v0  }
0x1c4: {  	[tilespmem:s26+$0xFFFFFFF0] =	vst v0  }
0x1c5: {  	[tilespmem:s26+$0xFFFFFFE0] =	vst v0  }
0x1c6: {  	[tilespmem:s26+$0xFFFFFFD0] =	vst v0  }
0x1c7: {  	[tilespmem:s2], [sflag:$0x3] =	stream.strided.gather [hbm4b:s15+s18], $0x4000, s19, s18, $0x38;
	[tilespmem:$0x1D000] =	vst v63  }
0x1c8: {  	_ =	swait.ge [sflag:s20], $0x4000  }
0x1c9: {  	[sflag:s20] =	ssyncset.done $0x0  }
0x1ca: {  	s31 =	simm.s32 $0x40;
	[sflag:s20] =	ssyncadd.s32 $0xFFFFC000  }
0x1cb: {  	v2 =	vld [tilespmem:s31+$0x30]  }
0x1cc: {  	v3 =	vld [tilespmem:s31+$0xFFFFFFD0]  }
0x1cd: {  	v4 =	vld [tilespmem:s31+$0xFFFFFFE0]  }
0x1ce: {  	v5 =	vld [tilespmem:s31+$0xFFFFFFF0]  }
0x1cf: {  	v6 =	vld [tilespmem:s31+$0x0]  }
0x1d0: {  	v7 =	vld [tilespmem:s31+$0x10]  }
0x1d1: {  	v8 =	vld [tilespmem:s31+$0x20]  }
0x1d2: {  	v10 =	vld [tilespmem:s31+$0xFFFFFFC0];
	_ =	sdelay $0x1  }
0x1d3: {  	vm2 =	vgt.s32 v2, $0xC7FF;
	vm3 =	vgt.s32 v3, $0xC7FF;
	vm4 =	vgt.s32 v4, $0xC7FF  }
0x1d4: {  	vm5 =	vgt.s32 v5, $0xC7FF;
	vm6 =	vgt.s32 v6, $0xC7FF;
	vm0 =	vgt.s32 v7, $0xC7FF  }
0x1d5: {  	vm1 =	vgt.s32 v8, $0xC7FF;
	v9 =	vsel vm2, $0xFFFF3800, v0;
	v11 =	vsel vm3, $0xFFFF3800, v0  }
0x1d6: {  	v12 =	vsel vm2, $0x10000, v1;
	vm2 =	vgt.s32 v10, $0xC7FF;
	v9 =	vadd.s32 v2, v9  }
0x1d7: {  	v13 =	vsel vm1, $0xFFFF3800, v0;
	v11 =	vadd.s32 v3, v11;
	v2 =	vsel vm4, $0xFFFF3800, v0  }
0x1d8: {  	v3 =	vsel vm5, $0xFFFF3800, v0;
	v2 =	vadd.s32 v4, v2;
	v4 =	vsel vm6, $0xFFFF3800, v0  }
0x1d9: {  	v3 =	vadd.s32 v5, v3;
	v5 =	vsel vm0, $0xFFFF3800, v0;
	v6 =	vadd.s32 v6, v4  }
0x1da: {  	v4 =	vadd.s32 v7, v5;
	v7 =	vsel vm2, $0xFFFF3800, v0;
	v5 =	vadd.s32 v8, v13  }
0x1db: {  	v8 =	vadd.s32 v10, v7;
	v7 =	vsel vm3, $0x10000, v1;
	v10 =	vsel vm5, $0x10000, v1;
	[tilespmem:v9+s21+$0x0] =	vst.idx.add.s32.msk $0xffff, v12  }
0x1dc: {  	s26 =	simm.s32 $0x0;
	s28 =	simm.s32 $0xC0;
	v9 =	vsel vm2, $0x10000, v1;
	[tilespmem:v11+s21+$0x0] =	vst.idx.add.s32.msk $0xffff, v7;
	v11 =	vsel vm4, $0x10000, v1;
	v7 =	vsel vm6, $0x10000, v1  }
.LBB2_29:
0x1dd: {  	v12 =	vld [tilespmem:s28+$0x30];
	s26 =	sadd.s32 $0x80, s26;
	v13 =	vsel vm0, $0x10000, v1;
	v14 =	vsel vm1, $0x10000, v1  }
0x1de: {  	v15 =	vld [tilespmem:s28+$0xFFFFFFD0];
	p1 =	slt.u32 s26, $0x3F80  }
0x1df: {  	v16 =	vld [tilespmem:s28+$0xFFFFFFE0]  }
0x1e0: {  	v17 =	vld [tilespmem:s28+$0xFFFFFFF0]  }
0x1e1: {  	v18 =	vld [tilespmem:s28+$0x0]  }
0x1e2: {  	v19 =	vld [tilespmem:s28+$0x10];
	vm6 =	vgt.s32 v12, $0xC7FF  }
0x1e3: {  	vm2 =	vgt.s32 v15, $0xC7FF;
	v20 =	vld [tilespmem:s28+$0x20];
	v21 =	vsel vm6, $0xFFFF3800, v0  }
0x1e4: {  	v22 =	vld [tilespmem:s28+$0xFFFFFFC0];
	v23 =	vsel vm2, $0xFFFF3800, v0;
	vm3 =	vgt.s32 v16, $0xC7FF;
	v12 =	vadd.s32 v12, v21  }
0x1e5: {  	v15 =	vadd.s32 v15, v23;
	v21 =	vsel vm3, $0xFFFF3800, v0;
	vm4 =	vgt.s32 v17, $0xC7FF;
	[tilespmem:v8+s21+$0x0] =	vst.idx.add.s32.msk $0xffff, v9  }
0x1e6: {  	v8 =	vsel vm4, $0xFFFF3800, v0;
	vm5 =	vgt.s32 v18, $0xC7FF;
	[tilespmem:v2+s21+$0x0] =	vst.idx.add.s32.msk $0xffff, v11;
	v2 =	vadd.s32 v16, v21  }
0x1e7: {  	v9 =	vsel vm5, $0xFFFF3800, v0;
	vm0 =	vgt.s32 v19, $0xC7FF;
	[tilespmem:v3+s21+$0x0] =	vst.idx.add.s32.msk $0xffff, v10;
	v3 =	vadd.s32 v17, v8  }
.Ltmp16:
0x1e8: {  	v10 =	vsel vm6, $0x10000, v1;
	v8 =	vsel vm0, $0xFFFF3800, v0;
	vm1 =	vgt.s32 v20, $0xC7FF;
	[tilespmem:v6+s21+$0x0] =	vst.idx.add.s32.msk $0xffff, v7;
	(pc) =	sbr.rel @p1 .LBB2_29-.Ltmp16, $4  }
0x1e9: {  	v6 =	vadd.s32 v18, v9;
	vm6 =	vgt.s32 v22, $0xC7FF;
	v7 =	vsel vm1, $0xFFFF3800, v0;
	[tilespmem:v12+s21+$0x0] =	vst.idx.add.s32.msk $0xffff, v10  }
0x1ea: {  	v9 =	vsel vm6, $0xFFFF3800, v0;
	v7 =	vadd.s32 v20, v7;
	[tilespmem:v4+s21+$0x0] =	vst.idx.add.s32.msk $0xffff, v13;
	v4 =	vadd.s32 v19, v8  }
0x1eb: {  	v10 =	vsel vm2, $0x10000, v1;
	v8 =	vadd.s32 v22, v9;
	v9 =	vsel vm6, $0x10000, v1;
	[tilespmem:v5+s21+$0x0] =	vst.idx.add.s32.msk $0xffff, v14;
	v5 =	vmovc v7  }
0x1ec: {  	s28 =	sadd.s32 $0x80, s28;
	v11 =	vsel vm3, $0x10000, v1;
	v7 =	vsel vm5, $0x10000, v1;
	[tilespmem:v15+s21+$0x0] =	vst.idx.add.s32.msk $0xffff, v10;
	v10 =	vsel vm4, $0x10000, v1  }
.Ltmp17:
0x1ed: {  	_ = 	snop;
	(pc) =	sbr.rel .LBB2_30-.Ltmp17, $1  }
0x1ee: {  	_ =	sdelay $0x3  }
.LBB2_32:
0x1ef: {  	_ =	sfence.sel $0x180000  }
0x1f0: {  	[bflag:$0x0] =	sbarrier.arrive $0xFFFF  }
0x1f1: {  	p0 =	sne.s32 s1, $0x0;
	_ =	strace $0x90000047  }
0x1f2: {  	s0 =	sadd.s32 @!p0 $0x100000, s0;
	[bflag:$0x2] =	sbarrier.arrive $0xFFFF  }
0x1f3: {  	[sflag:s0] =	ssyncadd.tile.s32 @!p0 $0x1;
	_ =	shalt  }
.Lfunc_end2:
_tile_overlayer_lowered:
.L_overlay_start_2:
0x1f4: {  	(tag) =	ssettag $0x2  }
0x1f5: {  	s0 =	rddreg [dreg:$0x0];
	s2 =	stileid.u32  }
0x1f6: {  	s1 =	rddreg [dreg:$0x1];
	p0 =	sne.s32 s2, $0x0  }
0x1f7: {  	s3 =	rddreg [dreg:$0x2];
	[bflag:$0x3] =	sbarrier.arrive $0xFFFF;
	s2 =	simm.s32 @!p0 $0x1C03  }
0x1f8: {  	[timem:s3], [sflag:s2] =	dma.local @!p0 [hbm:s0], s1  }
0x1f9: {  	s0 =	simm.s32 @!p0 $0x3  }
0x1fa: {  	_ =	swait.ge @!p0 [sflag:s0], s1  }
0x1fb: {  	s1 =	ssub.s32 @!p0 $0x0, s1;
	[sflag:s0] =	ssyncset.done @!p0 $0x0  }
0x1fc: {  	[sflag:s0] =	ssyncadd.s32 @!p0 s1  }
0x1fd: {  	[bflag:$0x3] =	sbarrier.arrive $0xFFFF  }
0x1fe: {  	_ =	shalt  }

</sc_bundles>
